<compile_context>
chip_gen: v7x
topology: tpu7x:2x2x1
jax: 0.10.2.dev20260603
libtpu: 0.0.44.dev20260713+nightly
codegen_flags: <defaults>
</compile_context>

<pallas_src>
import functools

import jax
import jax.numpy as jnp
from jax import lax
from jax.experimental import pallas as pl
from jax.experimental.pallas import tpu as pltpu
from jax.experimental.pallas import tpu_sc as plsc

NC = 2
NS = 16
NW = NC * NS
LANES = 16

L = 20
D = 32
CHUNK_BAGS = 32
CHUNK_IDX = CHUNK_BAGS * L
GATHER_W = 128
GATHERS = CHUNK_IDX // GATHER_W


def _emb_body(bags_per_w, chunks, idx_per_w,
              table_hbm, idx_hbm, out_hbm,
              idxw_v, rows0_v, rows1_v, stage0_v, stage1_v,
              sg0, sg1, so0, so1):
    wid = lax.axis_index("s") * NC + lax.axis_index("c")

    pltpu.sync_copy(idx_hbm.at[pl.ds(wid * idx_per_w, idx_per_w)],
                    idxw_v.at[pl.ds(0, idx_per_w)])

    def fire_gathers(c, rows_v, sem):
        for k in range(GATHERS):
            pltpu.async_copy(
                table_hbm.at[idxw_v.at[pl.ds(c * CHUNK_IDX + k * GATHER_W,
                                             GATHER_W)]],
                rows_v.at[pl.ds(k * GATHER_W, GATHER_W)],
                sem,
            )

    def drain_gathers(rows_v, sem):
        pltpu.make_async_copy(table_hbm.at[pl.ds(0, CHUNK_IDX)],
                              rows_v, sem).wait()

    def fire_out(c, stage_v, sem):
        out0 = wid * (bags_per_w * D) + c * (CHUNK_BAGS * D)
        pltpu.async_copy(stage_v, out_hbm.at[pl.ds(out0, CHUNK_BAGS * D)], sem)

    def drain_out(stage_v, sem):
        pltpu.make_async_copy(stage_v,
                              out_hbm.at[pl.ds(0, CHUNK_BAGS * D)],
                              sem).wait()

    def compute(c, rows_v, stage_v):
        base = c * CHUNK_IDX

        def bag_body(b, _):
            r = b * L
            m0 = jnp.where(idxw_v[pl.ds(base + r, LANES)] != 0,
                           jnp.float32(1.0), jnp.float32(0.0))
            m1 = jnp.where(idxw_v[pl.ds(base + r + LANES, LANES)] != 0,
                           jnp.float32(1.0), jnp.float32(0.0))
            acc0 = jnp.zeros((LANES,), jnp.float32)
            acc1 = jnp.zeros((LANES,), jnp.float32)
            for j in range(L):
                f = m0[j] if j < LANES else m1[j - LANES]
                acc0 = acc0 + rows_v[r + j, pl.ds(0, LANES)] * f
                acc1 = acc1 + rows_v[r + j, pl.ds(LANES, LANES)] * f
            stage_v[pl.ds(b * D, LANES)] = acc0
            stage_v[pl.ds(b * D + LANES, LANES)] = acc1
            return _

        lax.fori_loop(0, CHUNK_BAGS, bag_body, None)

    fire_gathers(0, rows0_v, sg0)

    def pair_body(cc, _):
        c0 = 2 * cc
        c1 = c0 + 1
        fire_gathers(c1, rows1_v, sg1)
        drain_gathers(rows0_v, sg0)
        pl.when(cc > 0)(lambda: drain_out(stage0_v, so0))
        compute(c0, rows0_v, stage0_v)
        fire_out(c0, stage0_v, so0)
        pl.when(c0 + 2 < chunks)(lambda: fire_gathers(c0 + 2, rows0_v, sg0))
        drain_gathers(rows1_v, sg1)
        pl.when(cc > 0)(lambda: drain_out(stage1_v, so1))
        compute(c1, rows1_v, stage1_v)
        fire_out(c1, stage1_v, so1)
        return _

    lax.fori_loop(0, chunks // 2, pair_body, None)
    drain_out(stage0_v, so0)
    drain_out(stage1_v, so1)


def _tc_table_relayout(table):
    V, d = table.shape
    W = 16384
    G = (V + W - 1) // W
    v_pad = G * W

    def body(x_ref, o_ref):
        xt = x_ref[...].T
        y = xt.reshape(W // 4, 4, 32)
        for k in range(4):
            o_ref[:, k * 32:(k + 1) * 32] = y[:, k, :]

    out = pl.pallas_call(
        body,
        grid=(G,),
        in_specs=[pl.BlockSpec((d, W), lambda i: (0, i))],
        out_specs=pl.BlockSpec((W * d // 128, 128), lambda i: (i, 0)),
        out_shape=jax.ShapeDtypeStruct((v_pad * d // 128, 128), jnp.float32),
    )(table.T)
    return out.reshape(v_pad * d).reshape(v_pad, d)


def kernel(inputs, table):
    B, F, bag = inputs.shape
    V, d = table.shape
    assert bag == L and d == D
    bags = B * F
    assert bags % NW == 0
    bags_per_w = bags // NW
    assert bags_per_w % (2 * CHUNK_BAGS) == 0
    chunks = bags_per_w // CHUNK_BAGS
    idx_per_w = bags_per_w * L

    tbl_k = _tc_table_relayout(table)
    idx1d = inputs.reshape(bags * L).astype(jnp.int32)

    mesh = plsc.VectorSubcoreMesh(core_axis_name="c", subcore_axis_name="s")
    k = functools.partial(
        pl.kernel,
        mesh=mesh,
        compiler_params=pltpu.CompilerParams(use_tc_tiling_on_sc=False),
        out_type=jax.ShapeDtypeStruct((bags * D,), jnp.float32),
        scratch_types=[
            pltpu.VMEM((idx_per_w + LANES,), jnp.int32),
            pltpu.VMEM((CHUNK_IDX, D), jnp.float32),
            pltpu.VMEM((CHUNK_IDX, D), jnp.float32),
            pltpu.VMEM((CHUNK_BAGS * D,), jnp.float32),
            pltpu.VMEM((CHUNK_BAGS * D,), jnp.float32),
            pltpu.SemaphoreType.DMA,
            pltpu.SemaphoreType.DMA,
            pltpu.SemaphoreType.DMA,
            pltpu.SemaphoreType.DMA,
        ],
    )(functools.partial(_emb_body, bags_per_w, chunks, idx_per_w))

    out = k(tbl_k, idx1d)
    return out.reshape(B, F * D)

# --- scband reference (transcript-rebuilt; emitter-appended) ---
"""Pipeline reference for scband-custom-embedding-layer-79585743994899 (READ-ONLY COPY).

The authoritative reference and input builder live on the scoring server;
editing this copy changes nothing except your own understanding.
"""

import jax, jax.numpy as jnp
import numpy as np

INPUT_DIM = 1000000
OUTPUT_DIM = 32
VOCAB = INPUT_DIM + 1  # mask_zero=True adds reserved index 0


def setup_inputs(seed: int = 0) -> dict:
    key = jax.random.key(seed)
    k1, k2 = jax.random.split(key)
    # indices in [0, INPUT_DIM]; index 0 is masked out (padding)
    inputs = jax.random.randint(k1, (4096, 26, 20), 0, VOCAB)
    table = jax.random.normal(k2, (VOCAB, OUTPUT_DIM), dtype=jnp.float32) * 0.05
    return {"inputs": inputs, "table": table}


def reference(inputs, table):
    # embedding lookup (gather)
    emb = jnp.take(table, inputs, axis=0)  # [B, F, L, D]
    # mask_zero semantics: positions with index 0 contribute nothing
    mask = (inputs != 0)[..., None]
    emb = jnp.where(mask, emb, 0.0)
    # aggregation='sum' over the bag dimension (axis=2)
    agg = jnp.sum(emb, axis=2)  # [B, F, D]
    # Flatten -> [B, F*D]
    return agg.reshape(agg.shape[0], -1)

if __name__ == "__main__":
    import jax
    _d = setup_inputs()
    print(jax.jit(kernel)(*tuple(_d.values())))

</pallas_src>

<mosaic_0001>
#map = affine_map<(d0, d1) -> (0, 0)>
#map1 = affine_map<(d0, d1) -> (0)>
module attributes {stable_mosaic.version = 14 : i64} {
  func.func @_emb_body(%arg0: i32, %arg1: i32, %arg2: memref<1015808x32xf32, #tpu.memory_space<hbm>>, %arg3: memref<2129920xi32, #tpu.memory_space<hbm>>, %arg4: memref<3407872xf32, #tpu.memory_space<hbm>>, %arg5: memref<66576xi32, #tpu.memory_space<vmem>>, %arg6: memref<640x32xf32, #tpu.memory_space<vmem>>, %arg7: memref<640x32xf32, #tpu.memory_space<vmem>>, %arg8: memref<1024xf32, #tpu.memory_space<vmem>>, %arg9: memref<1024xf32, #tpu.memory_space<vmem>>, %arg10: memref<!tpu.dma_semaphore, #tpu.memory_space<semaphore_mem>>, %arg11: memref<!tpu.dma_semaphore, #tpu.memory_space<semaphore_mem>>, %arg12: memref<!tpu.dma_semaphore, #tpu.memory_space<semaphore_mem>>, %arg13: memref<!tpu.dma_semaphore, #tpu.memory_space<semaphore_mem>>) attributes {dimension_semantics = [#tpu.dimension_semantics<core_parallel>, #tpu.dimension_semantics<subcore_parallel>], iteration_bounds = array<i64: 2, 16>, scalar_prefetch = 0 : i64, scratch_operands = 9 : i64, tpu.core_type = #tpu.core_type<sc_vector_subcore>, window_params = [{transform_indices = #map}, {transform_indices = #map1}, {transform_indices = #map1}]} {
    %mul3A = arith.constant 2 : i32
    %mul3A_0 = arith.muli %arg1, %mul3A : i32
    %add3A = arith.addi %mul3A_0, %arg0 : i32
    %mul3A_1 = arith.constant 66560 : i32
    %mul3A_2 = arith.muli %add3A, %mul3A_1 : i32
    "tpu.region"() ({
      %run_scoped3A = tpu.sem_alloc : memref<!tpu.dma_semaphore, #tpu.memory_space<semaphore_mem>>
      %dma_start3A_53 = arith.constant 0 : i32
      %dma_start3A_54 = tpu.memref_slice %arg5[%dma_start3A_53] : memref<66576xi32, #tpu.memory_space<vmem>> -> memref<66560xi32, #tpu.memory_space<vmem>>
      %dma_start3A_55 = tpu.memref_slice %arg3[%mul3A_2] : memref<2129920xi32, #tpu.memory_space<hbm>> -> memref<66560xi32, #tpu.memory_space<hbm>>
      %dma_start3A_56 = arith.constant 0 : i32
      %dma_start3A_57 = tpu.memref_slice %arg5[%dma_start3A_56] : memref<66576xi32, #tpu.memory_space<vmem>> -> memref<66560xi32, #tpu.memory_space<vmem>>
      %dma_start3A_58 = tpu.memref_slice %arg3[%mul3A_2] : memref<2129920xi32, #tpu.memory_space<hbm>> -> memref<66560xi32, #tpu.memory_space<hbm>>
      tpu.enqueue_dma source(%dma_start3A_58 : memref<66560xi32, #tpu.memory_space<hbm>>) target(%dma_start3A_57 : memref<66560xi32, #tpu.memory_space<vmem>>) target_semaphore(%run_scoped3A : memref<!tpu.dma_semaphore, #tpu.memory_space<semaphore_mem>>)
      %dma_wait3A_59 = arith.constant 0 : i32
      %dma_wait3A_60 = tpu.memref_slice %arg5[%dma_wait3A_59] : memref<66576xi32, #tpu.memory_space<vmem>> -> memref<66560xi32, #tpu.memory_space<vmem>>
      %dma_wait3A_61 = tpu.memref_slice %arg3[%mul3A_2] : memref<2129920xi32, #tpu.memory_space<hbm>> -> memref<66560xi32, #tpu.memory_space<hbm>>
      %dma_wait3A_62 = arith.constant 0 : i32
      %dma_wait3A_63 = tpu.memref_slice %arg5[%dma_wait3A_62] : memref<66576xi32, #tpu.memory_space<vmem>> -> memref<66560xi32, #tpu.memory_space<vmem>>
      %dma_wait3A_64 = tpu.memref_slice %arg3[%mul3A_2] : memref<2129920xi32, #tpu.memory_space<hbm>> -> memref<66560xi32, #tpu.memory_space<hbm>>
      tpu.wait_dma2 semaphore(%run_scoped3A : memref<!tpu.dma_semaphore, #tpu.memory_space<semaphore_mem>>) src(%dma_wait3A_64 : memref<66560xi32, #tpu.memory_space<hbm>>) dst(%dma_wait3A_63 : memref<66560xi32, #tpu.memory_space<vmem>>)
      tpu.yield
    }) : () -> ()
    %dma_start3A = arith.constant 0 : i32
    %dma_start3A_3 = arith.constant 0 : i32
    %dma_start3A_4 = tpu.memref_slice %arg6[%dma_start3A, %dma_start3A_3] : memref<640x32xf32, #tpu.memory_space<vmem>> -> memref<128x32xf32, #tpu.memory_space<vmem>>
    %dma_start3A_5 = arith.constant 0 : i32
    %dma_start3A_6 = tpu.memref_slice %arg5[%dma_start3A_5] : memref<66576xi32, #tpu.memory_space<vmem>> -> memref<128xi32, #tpu.memory_space<vmem>>
    %dma_start3A_7 = arith.constant 0 : i32
    %dma_start3A_8 = arith.constant 0 : i32
    %dma_start3A_9 = tpu.memref_slice %arg2[%dma_start3A_7, %dma_start3A_8] : memref<1015808x32xf32, #tpu.memory_space<hbm>> -> memref<1015808x32xf32, #tpu.memory_space<hbm>>
    tpu.enqueue_indirect_dma source(%dma_start3A_9 : memref<1015808x32xf32, #tpu.memory_space<hbm>>) target(%dma_start3A_4 : memref<128x32xf32, #tpu.memory_space<vmem>>) offsets(%dma_start3A_6 : memref<128xi32, #tpu.memory_space<vmem>>) semaphore(%arg10 : memref<!tpu.dma_semaphore, #tpu.memory_space<semaphore_mem>>)
    %dma_start3A_10 = arith.constant 128 : i32
    %dma_start3A_11 = arith.constant 0 : i32
    %dma_start3A_12 = tpu.memref_slice %arg6[%dma_start3A_10, %dma_start3A_11] : memref<640x32xf32, #tpu.memory_space<vmem>> -> memref<128x32xf32, #tpu.memory_space<vmem>>
    %dma_start3A_13 = arith.constant 128 : i32
    %dma_start3A_14 = tpu.memref_slice %arg5[%dma_start3A_13] : memref<66576xi32, #tpu.memory_space<vmem>> -> memref<128xi32, #tpu.memory_space<vmem>>
    %dma_start3A_15 = arith.constant 0 : i32
    %dma_start3A_16 = arith.constant 0 : i32
    %dma_start3A_17 = tpu.memref_slice %arg2[%dma_start3A_15, %dma_start3A_16] : memref<1015808x32xf32, #tpu.memory_space<hbm>> -> memref<1015808x32xf32, #tpu.memory_space<hbm>>
    tpu.enqueue_indirect_dma source(%dma_start3A_17 : memref<1015808x32xf32, #tpu.memory_space<hbm>>) target(%dma_start3A_12 : memref<128x32xf32, #tpu.memory_space<vmem>>) offsets(%dma_start3A_14 : memref<128xi32, #tpu.memory_space<vmem>>) semaphore(%arg10 : memref<!tpu.dma_semaphore, #tpu.memory_space<semaphore_mem>>)
    %dma_start3A_18 = arith.constant 256 : i32
    %dma_start3A_19 = arith.constant 0 : i32
    %dma_start3A_20 = tpu.memref_slice %arg6[%dma_start3A_18, %dma_start3A_19] : memref<640x32xf32, #tpu.memory_space<vmem>> -> memref<128x32xf32, #tpu.memory_space<vmem>>
    %dma_start3A_21 = arith.constant 256 : i32
    %dma_start3A_22 = tpu.memref_slice %arg5[%dma_start3A_21] : memref<66576xi32, #tpu.memory_space<vmem>> -> memref<128xi32, #tpu.memory_space<vmem>>
    %dma_start3A_23 = arith.constant 0 : i32
    %dma_start3A_24 = arith.constant 0 : i32
    %dma_start3A_25 = tpu.memref_slice %arg2[%dma_start3A_23, %dma_start3A_24] : memref<1015808x32xf32, #tpu.memory_space<hbm>> -> memref<1015808x32xf32, #tpu.memory_space<hbm>>
    tpu.enqueue_indirect_dma source(%dma_start3A_25 : memref<1015808x32xf32, #tpu.memory_space<hbm>>) target(%dma_start3A_20 : memref<128x32xf32, #tpu.memory_space<vmem>>) offsets(%dma_start3A_22 : memref<128xi32, #tpu.memory_space<vmem>>) semaphore(%arg10 : memref<!tpu.dma_semaphore, #tpu.memory_space<semaphore_mem>>)
    %dma_start3A_26 = arith.constant 384 : i32
    %dma_start3A_27 = arith.constant 0 : i32
    %dma_start3A_28 = tpu.memref_slice %arg6[%dma_start3A_26, %dma_start3A_27] : memref<640x32xf32, #tpu.memory_space<vmem>> -> memref<128x32xf32, #tpu.memory_space<vmem>>
    %dma_start3A_29 = arith.constant 384 : i32
    %dma_start3A_30 = tpu.memref_slice %arg5[%dma_start3A_29] : memref<66576xi32, #tpu.memory_space<vmem>> -> memref<128xi32, #tpu.memory_space<vmem>>
    %dma_start3A_31 = arith.constant 0 : i32
    %dma_start3A_32 = arith.constant 0 : i32
    %dma_start3A_33 = tpu.memref_slice %arg2[%dma_start3A_31, %dma_start3A_32] : memref<1015808x32xf32, #tpu.memory_space<hbm>> -> memref<1015808x32xf32, #tpu.memory_space<hbm>>
    tpu.enqueue_indirect_dma source(%dma_start3A_33 : memref<1015808x32xf32, #tpu.memory_space<hbm>>) target(%dma_start3A_28 : memref<128x32xf32, #tpu.memory_space<vmem>>) offsets(%dma_start3A_30 : memref<128xi32, #tpu.memory_space<vmem>>) semaphore(%arg10 : memref<!tpu.dma_semaphore, #tpu.memory_space<semaphore_mem>>)
    %dma_start3A_34 = arith.constant 512 : i32
    %dma_start3A_35 = arith.constant 0 : i32
    %dma_start3A_36 = tpu.memref_slice %arg6[%dma_start3A_34, %dma_start3A_35] : memref<640x32xf32, #tpu.memory_space<vmem>> -> memref<128x32xf32, #tpu.memory_space<vmem>>
    %dma_start3A_37 = arith.constant 512 : i32
    %dma_start3A_38 = tpu.memref_slice %arg5[%dma_start3A_37] : memref<66576xi32, #tpu.memory_space<vmem>> -> memref<128xi32, #tpu.memory_space<vmem>>
    %dma_start3A_39 = arith.constant 0 : i32
    %dma_start3A_40 = arith.constant 0 : i32
    %dma_start3A_41 = tpu.memref_slice %arg2[%dma_start3A_39, %dma_start3A_40] : memref<1015808x32xf32, #tpu.memory_space<hbm>> -> memref<1015808x32xf32, #tpu.memory_space<hbm>>
    tpu.enqueue_indirect_dma source(%dma_start3A_41 : memref<1015808x32xf32, #tpu.memory_space<hbm>>) target(%dma_start3A_36 : memref<128x32xf32, #tpu.memory_space<vmem>>) offsets(%dma_start3A_38 : memref<128xi32, #tpu.memory_space<vmem>>) semaphore(%arg10 : memref<!tpu.dma_semaphore, #tpu.memory_space<semaphore_mem>>)
    %scan3A = arith.constant 0 : i32
    %scan3A_42 = arith.constant 52 : i32
    %scan3A_43 = arith.addi %scan3A, %scan3A_42 : i32
    %scan3A_44 = arith.constant 1 : i32
    scf.for %scan3A_53 = %scan3A to %scan3A_43 step %scan3A_44  : i32 {
      %mul3A_54 = arith.constant 2 : i32
      %mul3A_55 = arith.muli %mul3A_54, %scan3A_53 : i32
      %add3A_56 = arith.constant 1 : i32
      %add3A_57 = arith.addi %mul3A_55, %add3A_56 : i32
      %mul3A_58 = arith.constant 640 : i32
      %mul3A_59 = arith.muli %add3A_57, %mul3A_58 : i32
      %add3A_60 = arith.constant 0 : i32
      %add3A_61 = arith.addi %mul3A_59, %add3A_60 : i32
      %dma_start3A_62 = arith.constant 0 : i32
      %dma_start3A_63 = arith.constant 0 : i32
      %dma_start3A_64 = tpu.memref_slice %arg7[%dma_start3A_62, %dma_start3A_63] : memref<640x32xf32, #tpu.memory_space<vmem>> -> memref<128x32xf32, #tpu.memory_space<vmem>>
      %dma_start3A_65 = tpu.memref_slice %arg5[%add3A_61] : memref<66576xi32, #tpu.memory_space<vmem>> -> memref<128xi32, #tpu.memory_space<vmem>>
      %dma_start3A_66 = arith.constant 0 : i32
      %dma_start3A_67 = arith.constant 0 : i32
      %dma_start3A_68 = tpu.memref_slice %arg2[%dma_start3A_66, %dma_start3A_67] : memref<1015808x32xf32, #tpu.memory_space<hbm>> -> memref<1015808x32xf32, #tpu.memory_space<hbm>>
      tpu.enqueue_indirect_dma source(%dma_start3A_68 : memref<1015808x32xf32, #tpu.memory_space<hbm>>) target(%dma_start3A_64 : memref<128x32xf32, #tpu.memory_space<vmem>>) offsets(%dma_start3A_65 : memref<128xi32, #tpu.memory_space<vmem>>) semaphore(%arg11 : memref<!tpu.dma_semaphore, #tpu.memory_space<semaphore_mem>>)
      %mul3A_69 = arith.constant 640 : i32
      %mul3A_70 = arith.muli %add3A_57, %mul3A_69 : i32
      %add3A_71 = arith.constant 128 : i32
      %add3A_72 = arith.addi %mul3A_70, %add3A_71 : i32
      %dma_start3A_73 = arith.constant 128 : i32
      %dma_start3A_74 = arith.constant 0 : i32
      %dma_start3A_75 = tpu.memref_slice %arg7[%dma_start3A_73, %dma_start3A_74] : memref<640x32xf32, #tpu.memory_space<vmem>> -> memref<128x32xf32, #tpu.memory_space<vmem>>
      %dma_start3A_76 = tpu.memref_slice %arg5[%add3A_72] : memref<66576xi32, #tpu.memory_space<vmem>> -> memref<128xi32, #tpu.memory_space<vmem>>
      %dma_start3A_77 = arith.constant 0 : i32
      %dma_start3A_78 = arith.constant 0 : i32
      %dma_start3A_79 = tpu.memref_slice %arg2[%dma_start3A_77, %dma_start3A_78] : memref<1015808x32xf32, #tpu.memory_space<hbm>> -> memref<1015808x32xf32, #tpu.memory_space<hbm>>
      tpu.enqueue_indirect_dma source(%dma_start3A_79 : memref<1015808x32xf32, #tpu.memory_space<hbm>>) target(%dma_start3A_75 : memref<128x32xf32, #tpu.memory_space<vmem>>) offsets(%dma_start3A_76 : memref<128xi32, #tpu.memory_space<vmem>>) semaphore(%arg11 : memref<!tpu.dma_semaphore, #tpu.memory_space<semaphore_mem>>)
      %mul3A_80 = arith.constant 640 : i32
      %mul3A_81 = arith.muli %add3A_57, %mul3A_80 : i32
      %add3A_82 = arith.constant 256 : i32
      %add3A_83 = arith.addi %mul3A_81, %add3A_82 : i32
      %dma_start3A_84 = arith.constant 256 : i32
      %dma_start3A_85 = arith.constant 0 : i32
      %dma_start3A_86 = tpu.memref_slice %arg7[%dma_start3A_84, %dma_start3A_85] : memref<640x32xf32, #tpu.memory_space<vmem>> -> memref<128x32xf32, #tpu.memory_space<vmem>>
      %dma_start3A_87 = tpu.memref_slice %arg5[%add3A_83] : memref<66576xi32, #tpu.memory_space<vmem>> -> memref<128xi32, #tpu.memory_space<vmem>>
      %dma_start3A_88 = arith.constant 0 : i32
      %dma_start3A_89 = arith.constant 0 : i32
      %dma_start3A_90 = tpu.memref_slice %arg2[%dma_start3A_88, %dma_start3A_89] : memref<1015808x32xf32, #tpu.memory_space<hbm>> -> memref<1015808x32xf32, #tpu.memory_space<hbm>>
      tpu.enqueue_indirect_dma source(%dma_start3A_90 : memref<1015808x32xf32, #tpu.memory_space<hbm>>) target(%dma_start3A_86 : memref<128x32xf32, #tpu.memory_space<vmem>>) offsets(%dma_start3A_87 : memref<128xi32, #tpu.memory_space<vmem>>) semaphore(%arg11 : memref<!tpu.dma_semaphore, #tpu.memory_space<semaphore_mem>>)
      %mul3A_91 = arith.constant 640 : i32
      %mul3A_92 = arith.muli %add3A_57, %mul3A_91 : i32
      %add3A_93 = arith.constant 384 : i32
      %add3A_94 = arith.addi %mul3A_92, %add3A_93 : i32
      %dma_start3A_95 = arith.constant 384 : i32
      %dma_start3A_96 = arith.constant 0 : i32
      %dma_start3A_97 = tpu.memref_slice %arg7[%dma_start3A_95, %dma_start3A_96] : memref<640x32xf32, #tpu.memory_space<vmem>> -> memref<128x32xf32, #tpu.memory_space<vmem>>
      %dma_start3A_98 = tpu.memref_slice %arg5[%add3A_94] : memref<66576xi32, #tpu.memory_space<vmem>> -> memref<128xi32, #tpu.memory_space<vmem>>
      %dma_start3A_99 = arith.constant 0 : i32
      %dma_start3A_100 = arith.constant 0 : i32
      %dma_start3A_101 = tpu.memref_slice %arg2[%dma_start3A_99, %dma_start3A_100] : memref<1015808x32xf32, #tpu.memory_space<hbm>> -> memref<1015808x32xf32, #tpu.memory_space<hbm>>
      tpu.enqueue_indirect_dma source(%dma_start3A_101 : memref<1015808x32xf32, #tpu.memory_space<hbm>>) target(%dma_start3A_97 : memref<128x32xf32, #tpu.memory_space<vmem>>) offsets(%dma_start3A_98 : memref<128xi32, #tpu.memory_space<vmem>>) semaphore(%arg11 : memref<!tpu.dma_semaphore, #tpu.memory_space<semaphore_mem>>)
      %mul3A_102 = arith.constant 640 : i32
      %mul3A_103 = arith.muli %add3A_57, %mul3A_102 : i32
      %add3A_104 = arith.constant 512 : i32
      %add3A_105 = arith.addi %mul3A_103, %add3A_104 : i32
      %dma_start3A_106 = arith.constant 512 : i32
      %dma_start3A_107 = arith.constant 0 : i32
      %dma_start3A_108 = tpu.memref_slice %arg7[%dma_start3A_106, %dma_start3A_107] : memref<640x32xf32, #tpu.memory_space<vmem>> -> memref<128x32xf32, #tpu.memory_space<vmem>>
      %dma_start3A_109 = tpu.memref_slice %arg5[%add3A_105] : memref<66576xi32, #tpu.memory_space<vmem>> -> memref<128xi32, #tpu.memory_space<vmem>>
      %dma_start3A_110 = arith.constant 0 : i32
      %dma_start3A_111 = arith.constant 0 : i32
      %dma_start3A_112 = tpu.memref_slice %arg2[%dma_start3A_110, %dma_start3A_111] : memref<1015808x32xf32, #tpu.memory_space<hbm>> -> memref<1015808x32xf32, #tpu.memory_space<hbm>>
      tpu.enqueue_indirect_dma source(%dma_start3A_112 : memref<1015808x32xf32, #tpu.memory_space<hbm>>) target(%dma_start3A_108 : memref<128x32xf32, #tpu.memory_space<vmem>>) offsets(%dma_start3A_109 : memref<128xi32, #tpu.memory_space<vmem>>) semaphore(%arg11 : memref<!tpu.dma_semaphore, #tpu.memory_space<semaphore_mem>>)
      %dma_wait3A_113 = arith.constant 0 : i32
      %dma_wait3A_114 = arith.constant 0 : i32
      %dma_wait3A_115 = tpu.memref_slice %arg2[%dma_wait3A_113, %dma_wait3A_114] : memref<1015808x32xf32, #tpu.memory_space<hbm>> -> memref<640x32xf32, #tpu.memory_space<hbm>>
      %dma_wait3A_116 = arith.constant 0 : i32
      %dma_wait3A_117 = arith.constant 0 : i32
      %dma_wait3A_118 = tpu.memref_slice %arg2[%dma_wait3A_116, %dma_wait3A_117] : memref<1015808x32xf32, #tpu.memory_space<hbm>> -> memref<640x32xf32, #tpu.memory_space<hbm>>
      tpu.wait_dma2 semaphore(%arg10 : memref<!tpu.dma_semaphore, #tpu.memory_space<semaphore_mem>>) src(%dma_wait3A_118 : memref<640x32xf32, #tpu.memory_space<hbm>>) dst(%arg6 : memref<640x32xf32, #tpu.memory_space<vmem>>)
      %gt3A = arith.constant 0 : i32
      %gt3A_119 = arith.cmpi sgt, %scan3A_53, %gt3A : i32
      %convert_element_type3A = arith.extui %gt3A_119 : i1 to i32
      %cond3A = arith.constant 0 : i32
      %cond3A_120 = arith.cmpi ne, %convert_element_type3A, %cond3A : i32
      scf.if %cond3A_120 {
        %dma_wait3A_166 = arith.constant 0 : i32
        %dma_wait3A_167 = tpu.memref_slice %arg4[%dma_wait3A_166] : memref<3407872xf32, #tpu.memory_space<hbm>> -> memref<1024xf32, #tpu.memory_space<hbm>>
        %dma_wait3A_168 = arith.constant 0 : i32
        %dma_wait3A_169 = tpu.memref_slice %arg4[%dma_wait3A_168] : memref<3407872xf32, #tpu.memory_space<hbm>> -> memref<1024xf32, #tpu.memory_space<hbm>>
        tpu.wait_dma2 semaphore(%arg12 : memref<!tpu.dma_semaphore, #tpu.memory_space<semaphore_mem>>) src(%arg8 : memref<1024xf32, #tpu.memory_space<vmem>>) dst(%dma_wait3A_169 : memref<1024xf32, #tpu.memory_space<hbm>>)
      } else {
      }
      %mul3A_121 = arith.constant 640 : i32
      %mul3A_122 = arith.muli %mul3A_55, %mul3A_121 : i32
      %scan3A_123 = arith.constant 0 : i32
      %scan3A_124 = arith.constant 32 : i32
      %scan3A_125 = arith.addi %scan3A_123, %scan3A_124 : i32
      %scan3A_126 = arith.constant 1 : i32
      scf.for %scan3A_166 = %scan3A_123 to %scan3A_125 step %scan3A_126  : i32 {
        %mul3A_167 = arith.constant 20 : i32
        %mul3A_168 = arith.muli %scan3A_166, %mul3A_167 : i32
        %add3A_169 = arith.addi %mul3A_122, %mul3A_168 : i32
        %get3A = arith.index_cast %add3A_169 : i32 to index
        %get3A_170 = tpu.vector_load %arg5[%get3A] {strides = array<i32>} : memref<66576xi32, #tpu.memory_space<vmem>>, vector<16xi32>,
        %get3A_171 = vector.shape_cast %get3A_170 : vector<16xi32> to vector<16xi32>
        %ne3A = arith.constant 0 : i32
        %ne3A_172 = vector.broadcast %ne3A : i32 to vector<16xi32>
        %ne3A_173 = arith.cmpi ne, %get3A_171, %ne3A_172 : vector<16xi32>
        %jit3A = arith.constant 1.000000e+00 : f32
        %jit3A_174 = arith.constant 0.000000e+00 : f32
        %broadcast_in_dim3A = vector.broadcast %jit3A : f32 to vector<16xf32>
        %broadcast_in_dim3A_175 = vector.broadcast %jit3A_174 : f32 to vector<16xf32>
        %select_n3A = arith.select %ne3A_173, %broadcast_in_dim3A, %broadcast_in_dim3A_175 : vector<16xi1>, vector<16xf32>
        %add3A_176 = arith.addi %mul3A_122, %mul3A_168 : i32
        %add3A_177 = arith.constant 16 : i32
        %add3A_178 = arith.addi %add3A_176, %add3A_177 : i32
        %get3A_179 = arith.index_cast %add3A_178 : i32 to index
        %get3A_180 = tpu.vector_load %arg5[%get3A_179] {strides = array<i32>} : memref<66576xi32, #tpu.memory_space<vmem>>, vector<16xi32>,
        %get3A_181 = vector.shape_cast %get3A_180 : vector<16xi32> to vector<16xi32>
        %ne3A_182 = arith.constant 0 : i32
        %ne3A_183 = vector.broadcast %ne3A_182 : i32 to vector<16xi32>
        %ne3A_184 = arith.cmpi ne, %get3A_181, %ne3A_183 : vector<16xi32>
        %jit3A_185 = arith.constant 1.000000e+00 : f32
        %jit3A_186 = arith.constant 0.000000e+00 : f32
        %broadcast_in_dim3A_187 = vector.broadcast %jit3A_185 : f32 to vector<16xf32>
        %broadcast_in_dim3A_188 = vector.broadcast %jit3A_186 : f32 to vector<16xf32>
        %select_n3A_189 = arith.select %ne3A_184, %broadcast_in_dim3A_187, %broadcast_in_dim3A_188 : vector<16xi1>, vector<16xf32>
        %broadcast_in_dim3A_190 = arith.constant 0.000000e+00 : f32
        %broadcast_in_dim3A_191 = vector.broadcast %broadcast_in_dim3A_190 : f32 to vector<16xf32>
        %broadcast_in_dim3A_192 = arith.constant 0.000000e+00 : f32
        %broadcast_in_dim3A_193 = vector.broadcast %broadcast_in_dim3A_192 : f32 to vector<16xf32>
        %slice3A = vector.extract_strided_slice %select_n3A {offsets = [0], sizes = [1], strides = [1]} : vector<16xf32> to vector<1xf32>
        %squeeze3A = vector.extract %slice3A[0] : f32 from vector<1xf32>
        %add3A_194 = arith.constant 0 : i32
        %add3A_195 = arith.addi %mul3A_168, %add3A_194 : i32
        %get3A_196 = arith.index_cast %add3A_195 : i32 to index
        %get3A_197 = arith.constant 0 : index
        %get3A_198 = tpu.vector_load %arg6[%get3A_196, %get3A_197] {strides = array<i32>} : memref<640x32xf32, #tpu.memory_space<vmem>>, vector<1x16xf32>,
        %get3A_199 = vector.shape_cast %get3A_198 : vector<1x16xf32> to vector<16xf32>
        %mul3A_200 = vector.broadcast %squeeze3A : f32 to vector<16xf32>
        %mul3A_201 = arith.mulf %get3A_199, %mul3A_200 : vector<16xf32>
        %add3A_202 = arith.addf %broadcast_in_dim3A_191, %mul3A_201 : vector<16xf32>
        %add3A_203 = arith.constant 0 : i32
        %add3A_204 = arith.addi %mul3A_168, %add3A_203 : i32
        %get3A_205 = arith.index_cast %add3A_204 : i32 to index
        %get3A_206 = arith.constant 16 : index
        %get3A_207 = tpu.vector_load %arg6[%get3A_205, %get3A_206] {strides = array<i32>} : memref<640x32xf32, #tpu.memory_space<vmem>>, vector<1x16xf32>,
        %get3A_208 = vector.shape_cast %get3A_207 : vector<1x16xf32> to vector<16xf32>
        %mul3A_209 = vector.broadcast %squeeze3A : f32 to vector<16xf32>
        %mul3A_210 = arith.mulf %get3A_208, %mul3A_209 : vector<16xf32>
        %add3A_211 = arith.addf %broadcast_in_dim3A_193, %mul3A_210 : vector<16xf32>
        %slice3A_212 = vector.extract_strided_slice %select_n3A {offsets = [1], sizes = [1], strides = [1]} : vector<16xf32> to vector<1xf32>
        %squeeze3A_213 = vector.extract %slice3A_212[0] : f32 from vector<1xf32>
        %add3A_214 = arith.constant 1 : i32
        %add3A_215 = arith.addi %mul3A_168, %add3A_214 : i32
        %get3A_216 = arith.index_cast %add3A_215 : i32 to index
        %get3A_217 = arith.constant 0 : index
        %get3A_218 = tpu.vector_load %arg6[%get3A_216, %get3A_217] {strides = array<i32>} : memref<640x32xf32, #tpu.memory_space<vmem>>, vector<1x16xf32>,
        %get3A_219 = vector.shape_cast %get3A_218 : vector<1x16xf32> to vector<16xf32>
        %mul3A_220 = vector.broadcast %squeeze3A_213 : f32 to vector<16xf32>
        %mul3A_221 = arith.mulf %get3A_219, %mul3A_220 : vector<16xf32>
        %add3A_222 = arith.addf %add3A_202, %mul3A_221 : vector<16xf32>
        %add3A_223 = arith.constant 1 : i32
        %add3A_224 = arith.addi %mul3A_168, %add3A_223 : i32
        %get3A_225 = arith.index_cast %add3A_224 : i32 to index
        %get3A_226 = arith.constant 16 : index
        %get3A_227 = tpu.vector_load %arg6[%get3A_225, %get3A_226] {strides = array<i32>} : memref<640x32xf32, #tpu.memory_space<vmem>>, vector<1x16xf32>,
        %get3A_228 = vector.shape_cast %get3A_227 : vector<1x16xf32> to vector<16xf32>
        %mul3A_229 = vector.broadcast %squeeze3A_213 : f32 to vector<16xf32>
        %mul3A_230 = arith.mulf %get3A_228, %mul3A_229 : vector<16xf32>
        %add3A_231 = arith.addf %add3A_211, %mul3A_230 : vector<16xf32>
        %slice3A_232 = vector.extract_strided_slice %select_n3A {offsets = [2], sizes = [1], strides = [1]} : vector<16xf32> to vector<1xf32>
        %squeeze3A_233 = vector.extract %slice3A_232[0] : f32 from vector<1xf32>
        %add3A_234 = arith.constant 2 : i32
        %add3A_235 = arith.addi %mul3A_168, %add3A_234 : i32
        %get3A_236 = arith.index_cast %add3A_235 : i32 to index
        %get3A_237 = arith.constant 0 : index
        %get3A_238 = tpu.vector_load %arg6[%get3A_236, %get3A_237] {strides = array<i32>} : memref<640x32xf32, #tpu.memory_space<vmem>>, vector<1x16xf32>,
        %get3A_239 = vector.shape_cast %get3A_238 : vector<1x16xf32> to vector<16xf32>
        %mul3A_240 = vector.broadcast %squeeze3A_233 : f32 to vector<16xf32>
        %mul3A_241 = arith.mulf %get3A_239, %mul3A_240 : vector<16xf32>
        %add3A_242 = arith.addf %add3A_222, %mul3A_241 : vector<16xf32>
        %add3A_243 = arith.constant 2 : i32
        %add3A_244 = arith.addi %mul3A_168, %add3A_243 : i32
        %get3A_245 = arith.index_cast %add3A_244 : i32 to index
        %get3A_246 = arith.constant 16 : index
        %get3A_247 = tpu.vector_load %arg6[%get3A_245, %get3A_246] {strides = array<i32>} : memref<640x32xf32, #tpu.memory_space<vmem>>, vector<1x16xf32>,
        %get3A_248 = vector.shape_cast %get3A_247 : vector<1x16xf32> to vector<16xf32>
        %mul3A_249 = vector.broadcast %squeeze3A_233 : f32 to vector<16xf32>
        %mul3A_250 = arith.mulf %get3A_248, %mul3A_249 : vector<16xf32>
        %add3A_251 = arith.addf %add3A_231, %mul3A_250 : vector<16xf32>
        %slice3A_252 = vector.extract_strided_slice %select_n3A {offsets = [3], sizes = [1], strides = [1]} : vector<16xf32> to vector<1xf32>
        %squeeze3A_253 = vector.extract %slice3A_252[0] : f32 from vector<1xf32>
        %add3A_254 = arith.constant 3 : i32
        %add3A_255 = arith.addi %mul3A_168, %add3A_254 : i32
        %get3A_256 = arith.index_cast %add3A_255 : i32 to index
        %get3A_257 = arith.constant 0 : index
        %get3A_258 = tpu.vector_load %arg6[%get3A_256, %get3A_257] {strides = array<i32>} : memref<640x32xf32, #tpu.memory_space<vmem>>, vector<1x16xf32>,
        %get3A_259 = vector.shape_cast %get3A_258 : vector<1x16xf32> to vector<16xf32>
        %mul3A_260 = vector.broadcast %squeeze3A_253 : f32 to vector<16xf32>
        %mul3A_261 = arith.mulf %get3A_259, %mul3A_260 : vector<16xf32>
        %add3A_262 = arith.addf %add3A_242, %mul3A_261 : vector<16xf32>
        %add3A_263 = arith.constant 3 : i32
        %add3A_264 = arith.addi %mul3A_168, %add3A_263 : i32
        %get3A_265 = arith.index_cast %add3A_264 : i32 to index
        %get3A_266 = arith.constant 16 : index
        %get3A_267 = tpu.vector_load %arg6[%get3A_265, %get3A_266] {strides = array<i32>} : memref<640x32xf32, #tpu.memory_space<vmem>>, vector<1x16xf32>,
        %get3A_268 = vector.shape_cast %get3A_267 : vector<1x16xf32> to vector<16xf32>
        %mul3A_269 = vector.broadcast %squeeze3A_253 : f32 to vector<16xf32>
        %mul3A_270 = arith.mulf %get3A_268, %mul3A_269 : vector<16xf32>
        %add3A_271 = arith.addf %add3A_251, %mul3A_270 : vector<16xf32>
        %slice3A_272 = vector.extract_strided_slice %select_n3A {offsets = [4], sizes = [1], strides = [1]} : vector<16xf32> to vector<1xf32>
        %squeeze3A_273 = vector.extract %slice3A_272[0] : f32 from vector<1xf32>
        %add3A_274 = arith.constant 4 : i32
        %add3A_275 = arith.addi %mul3A_168, %add3A_274 : i32
        %get3A_276 = arith.index_cast %add3A_275 : i32 to index
        %get3A_277 = arith.constant 0 : index
        %get3A_278 = tpu.vector_load %arg6[%get3A_276, %get3A_277] {strides = array<i32>} : memref<640x32xf32, #tpu.memory_space<vmem>>, vector<1x16xf32>,
        %get3A_279 = vector.shape_cast %get3A_278 : vector<1x16xf32> to vector<16xf32>
        %mul3A_280 = vector.broadcast %squeeze3A_273 : f32 to vector<16xf32>
        %mul3A_281 = arith.mulf %get3A_279, %mul3A_280 : vector<16xf32>
        %add3A_282 = arith.addf %add3A_262, %mul3A_281 : vector<16xf32>
        %add3A_283 = arith.constant 4 : i32
        %add3A_284 = arith.addi %mul3A_168, %add3A_283 : i32
        %get3A_285 = arith.index_cast %add3A_284 : i32 to index
        %get3A_286 = arith.constant 16 : index
        %get3A_287 = tpu.vector_load %arg6[%get3A_285, %get3A_286] {strides = array<i32>} : memref<640x32xf32, #tpu.memory_space<vmem>>, vector<1x16xf32>,
        %get3A_288 = vector.shape_cast %get3A_287 : vector<1x16xf32> to vector<16xf32>
        %mul3A_289 = vector.broadcast %squeeze3A_273 : f32 to vector<16xf32>
        %mul3A_290 = arith.mulf %get3A_288, %mul3A_289 : vector<16xf32>
        %add3A_291 = arith.addf %add3A_271, %mul3A_290 : vector<16xf32>
        %slice3A_292 = vector.extract_strided_slice %select_n3A {offsets = [5], sizes = [1], strides = [1]} : vector<16xf32> to vector<1xf32>
        %squeeze3A_293 = vector.extract %slice3A_292[0] : f32 from vector<1xf32>
        %add3A_294 = arith.constant 5 : i32
        %add3A_295 = arith.addi %mul3A_168, %add3A_294 : i32
        %get3A_296 = arith.index_cast %add3A_295 : i32 to index
        %get3A_297 = arith.constant 0 : index
        %get3A_298 = tpu.vector_load %arg6[%get3A_296, %get3A_297] {strides = array<i32>} : memref<640x32xf32, #tpu.memory_space<vmem>>, vector<1x16xf32>,
        %get3A_299 = vector.shape_cast %get3A_298 : vector<1x16xf32> to vector<16xf32>
        %mul3A_300 = vector.broadcast %squeeze3A_293 : f32 to vector<16xf32>
        %mul3A_301 = arith.mulf %get3A_299, %mul3A_300 : vector<16xf32>
        %add3A_302 = arith.addf %add3A_282, %mul3A_301 : vector<16xf32>
        %add3A_303 = arith.constant 5 : i32
        %add3A_304 = arith.addi %mul3A_168, %add3A_303 : i32
        %get3A_305 = arith.index_cast %add3A_304 : i32 to index
        %get3A_306 = arith.constant 16 : index
        %get3A_307 = tpu.vector_load %arg6[%get3A_305, %get3A_306] {strides = array<i32>} : memref<640x32xf32, #tpu.memory_space<vmem>>, vector<1x16xf32>,
        %get3A_308 = vector.shape_cast %get3A_307 : vector<1x16xf32> to vector<16xf32>
        %mul3A_309 = vector.broadcast %squeeze3A_293 : f32 to vector<16xf32>
        %mul3A_310 = arith.mulf %get3A_308, %mul3A_309 : vector<16xf32>
        %add3A_311 = arith.addf %add3A_291, %mul3A_310 : vector<16xf32>
        %slice3A_312 = vector.extract_strided_slice %select_n3A {offsets = [6], sizes = [1], strides = [1]} : vector<16xf32> to vector<1xf32>
        %squeeze3A_313 = vector.extract %slice3A_312[0] : f32 from vector<1xf32>
        %add3A_314 = arith.constant 6 : i32
        %add3A_315 = arith.addi %mul3A_168, %add3A_314 : i32
        %get3A_316 = arith.index_cast %add3A_315 : i32 to index
        %get3A_317 = arith.constant 0 : index
        %get3A_318 = tpu.vector_load %arg6[%get3A_316, %get3A_317] {strides = array<i32>} : memref<640x32xf32, #tpu.memory_space<vmem>>, vector<1x16xf32>,
        %get3A_319 = vector.shape_cast %get3A_318 : vector<1x16xf32> to vector<16xf32>
        %mul3A_320 = vector.broadcast %squeeze3A_313 : f32 to vector<16xf32>
        %mul3A_321 = arith.mulf %get3A_319, %mul3A_320 : vector<16xf32>
        %add3A_322 = arith.addf %add3A_302, %mul3A_321 : vector<16xf32>
        %add3A_323 = arith.constant 6 : i32
        %add3A_324 = arith.addi %mul3A_168, %add3A_323 : i32
        %get3A_325 = arith.index_cast %add3A_324 : i32 to index
        %get3A_326 = arith.constant 16 : index
        %get3A_327 = tpu.vector_load %arg6[%get3A_325, %get3A_326] {strides = array<i32>} : memref<640x32xf32, #tpu.memory_space<vmem>>, vector<1x16xf32>,
        %get3A_328 = vector.shape_cast %get3A_327 : vector<1x16xf32> to vector<16xf32>
        %mul3A_329 = vector.broadcast %squeeze3A_313 : f32 to vector<16xf32>
        %mul3A_330 = arith.mulf %get3A_328, %mul3A_329 : vector<16xf32>
        %add3A_331 = arith.addf %add3A_311, %mul3A_330 : vector<16xf32>
        %slice3A_332 = vector.extract_strided_slice %select_n3A {offsets = [7], sizes = [1], strides = [1]} : vector<16xf32> to vector<1xf32>
        %squeeze3A_333 = vector.extract %slice3A_332[0] : f32 from vector<1xf32>
        %add3A_334 = arith.constant 7 : i32
        %add3A_335 = arith.addi %mul3A_168, %add3A_334 : i32
        %get3A_336 = arith.index_cast %add3A_335 : i32 to index
        %get3A_337 = arith.constant 0 : index
        %get3A_338 = tpu.vector_load %arg6[%get3A_336, %get3A_337] {strides = array<i32>} : memref<640x32xf32, #tpu.memory_space<vmem>>, vector<1x16xf32>,
        %get3A_339 = vector.shape_cast %get3A_338 : vector<1x16xf32> to vector<16xf32>
        %mul3A_340 = vector.broadcast %squeeze3A_333 : f32 to vector<16xf32>
        %mul3A_341 = arith.mulf %get3A_339, %mul3A_340 : vector<16xf32>
        %add3A_342 = arith.addf %add3A_322, %mul3A_341 : vector<16xf32>
        %add3A_343 = arith.constant 7 : i32
        %add3A_344 = arith.addi %mul3A_168, %add3A_343 : i32
        %get3A_345 = arith.index_cast %add3A_344 : i32 to index
        %get3A_346 = arith.constant 16 : index
        %get3A_347 = tpu.vector_load %arg6[%get3A_345, %get3A_346] {strides = array<i32>} : memref<640x32xf32, #tpu.memory_space<vmem>>, vector<1x16xf32>,
        %get3A_348 = vector.shape_cast %get3A_347 : vector<1x16xf32> to vector<16xf32>
        %mul3A_349 = vector.broadcast %squeeze3A_333 : f32 to vector<16xf32>
        %mul3A_350 = arith.mulf %get3A_348, %mul3A_349 : vector<16xf32>
        %add3A_351 = arith.addf %add3A_331, %mul3A_350 : vector<16xf32>
        %slice3A_352 = vector.extract_strided_slice %select_n3A {offsets = [8], sizes = [1], strides = [1]} : vector<16xf32> to vector<1xf32>
        %squeeze3A_353 = vector.extract %slice3A_352[0] : f32 from vector<1xf32>
        %add3A_354 = arith.constant 8 : i32
        %add3A_355 = arith.addi %mul3A_168, %add3A_354 : i32
        %get3A_356 = arith.index_cast %add3A_355 : i32 to index
        %get3A_357 = arith.constant 0 : index
        %get3A_358 = tpu.vector_load %arg6[%get3A_356, %get3A_357] {strides = array<i32>} : memref<640x32xf32, #tpu.memory_space<vmem>>, vector<1x16xf32>,
        %get3A_359 = vector.shape_cast %get3A_358 : vector<1x16xf32> to vector<16xf32>
        %mul3A_360 = vector.broadcast %squeeze3A_353 : f32 to vector<16xf32>
        %mul3A_361 = arith.mulf %get3A_359, %mul3A_360 : vector<16xf32>
        %add3A_362 = arith.addf %add3A_342, %mul3A_361 : vector<16xf32>
        %add3A_363 = arith.constant 8 : i32
        %add3A_364 = arith.addi %mul3A_168, %add3A_363 : i32
        %get3A_365 = arith.index_cast %add3A_364 : i32 to index
        %get3A_366 = arith.constant 16 : index
        %get3A_367 = tpu.vector_load %arg6[%get3A_365, %get3A_366] {strides = array<i32>} : memref<640x32xf32, #tpu.memory_space<vmem>>, vector<1x16xf32>,
        %get3A_368 = vector.shape_cast %get3A_367 : vector<1x16xf32> to vector<16xf32>
        %mul3A_369 = vector.broadcast %squeeze3A_353 : f32 to vector<16xf32>
        %mul3A_370 = arith.mulf %get3A_368, %mul3A_369 : vector<16xf32>
        %add3A_371 = arith.addf %add3A_351, %mul3A_370 : vector<16xf32>
        %slice3A_372 = vector.extract_strided_slice %select_n3A {offsets = [9], sizes = [1], strides = [1]} : vector<16xf32> to vector<1xf32>
        %squeeze3A_373 = vector.extract %slice3A_372[0] : f32 from vector<1xf32>
        %add3A_374 = arith.constant 9 : i32
        %add3A_375 = arith.addi %mul3A_168, %add3A_374 : i32
        %get3A_376 = arith.index_cast %add3A_375 : i32 to index
        %get3A_377 = arith.constant 0 : index
        %get3A_378 = tpu.vector_load %arg6[%get3A_376, %get3A_377] {strides = array<i32>} : memref<640x32xf32, #tpu.memory_space<vmem>>, vector<1x16xf32>,
        %get3A_379 = vector.shape_cast %get3A_378 : vector<1x16xf32> to vector<16xf32>
        %mul3A_380 = vector.broadcast %squeeze3A_373 : f32 to vector<16xf32>
        %mul3A_381 = arith.mulf %get3A_379, %mul3A_380 : vector<16xf32>
        %add3A_382 = arith.addf %add3A_362, %mul3A_381 : vector<16xf32>
        %add3A_383 = arith.constant 9 : i32
        %add3A_384 = arith.addi %mul3A_168, %add3A_383 : i32
        %get3A_385 = arith.index_cast %add3A_384 : i32 to index
        %get3A_386 = arith.constant 16 : index
        %get3A_387 = tpu.vector_load %arg6[%get3A_385, %get3A_386] {strides = array<i32>} : memref<640x32xf32, #tpu.memory_space<vmem>>, vector<1x16xf32>,
        %get3A_388 = vector.shape_cast %get3A_387 : vector<1x16xf32> to vector<16xf32>
        %mul3A_389 = vector.broadcast %squeeze3A_373 : f32 to vector<16xf32>
        %mul3A_390 = arith.mulf %get3A_388, %mul3A_389 : vector<16xf32>
        %add3A_391 = arith.addf %add3A_371, %mul3A_390 : vector<16xf32>
        %slice3A_392 = vector.extract_strided_slice %select_n3A {offsets = [10], sizes = [1], strides = [1]} : vector<16xf32> to vector<1xf32>
        %squeeze3A_393 = vector.extract %slice3A_392[0] : f32 from vector<1xf32>
        %add3A_394 = arith.constant 10 : i32
        %add3A_395 = arith.addi %mul3A_168, %add3A_394 : i32
        %get3A_396 = arith.index_cast %add3A_395 : i32 to index
        %get3A_397 = arith.constant 0 : index
        %get3A_398 = tpu.vector_load %arg6[%get3A_396, %get3A_397] {strides = array<i32>} : memref<640x32xf32, #tpu.memory_space<vmem>>, vector<1x16xf32>,
        %get3A_399 = vector.shape_cast %get3A_398 : vector<1x16xf32> to vector<16xf32>
        %mul3A_400 = vector.broadcast %squeeze3A_393 : f32 to vector<16xf32>
        %mul3A_401 = arith.mulf %get3A_399, %mul3A_400 : vector<16xf32>
        %add3A_402 = arith.addf %add3A_382, %mul3A_401 : vector<16xf32>
        %add3A_403 = arith.constant 10 : i32
        %add3A_404 = arith.addi %mul3A_168, %add3A_403 : i32
        %get3A_405 = arith.index_cast %add3A_404 : i32 to index
        %get3A_406 = arith.constant 16 : index
        %get3A_407 = tpu.vector_load %arg6[%get3A_405, %get3A_406] {strides = array<i32>} : memref<640x32xf32, #tpu.memory_space<vmem>>, vector<1x16xf32>,
        %get3A_408 = vector.shape_cast %get3A_407 : vector<1x16xf32> to vector<16xf32>
        %mul3A_409 = vector.broadcast %squeeze3A_393 : f32 to vector<16xf32>
        %mul3A_410 = arith.mulf %get3A_408, %mul3A_409 : vector<16xf32>
        %add3A_411 = arith.addf %add3A_391, %mul3A_410 : vector<16xf32>
        %slice3A_412 = vector.extract_strided_slice %select_n3A {offsets = [11], sizes = [1], strides = [1]} : vector<16xf32> to vector<1xf32>
        %squeeze3A_413 = vector.extract %slice3A_412[0] : f32 from vector<1xf32>
        %add3A_414 = arith.constant 11 : i32
        %add3A_415 = arith.addi %mul3A_168, %add3A_414 : i32
        %get3A_416 = arith.index_cast %add3A_415 : i32 to index
        %get3A_417 = arith.constant 0 : index
        %get3A_418 = tpu.vector_load %arg6[%get3A_416, %get3A_417] {strides = array<i32>} : memref<640x32xf32, #tpu.memory_space<vmem>>, vector<1x16xf32>,
        %get3A_419 = vector.shape_cast %get3A_418 : vector<1x16xf32> to vector<16xf32>
        %mul3A_420 = vector.broadcast %squeeze3A_413 : f32 to vector<16xf32>
        %mul3A_421 = arith.mulf %get3A_419, %mul3A_420 : vector<16xf32>
        %add3A_422 = arith.addf %add3A_402, %mul3A_421 : vector<16xf32>
        %add3A_423 = arith.constant 11 : i32
        %add3A_424 = arith.addi %mul3A_168, %add3A_423 : i32
        %get3A_425 = arith.index_cast %add3A_424 : i32 to index
        %get3A_426 = arith.constant 16 : index
        %get3A_427 = tpu.vector_load %arg6[%get3A_425, %get3A_426] {strides = array<i32>} : memref<640x32xf32, #tpu.memory_space<vmem>>, vector<1x16xf32>,
        %get3A_428 = vector.shape_cast %get3A_427 : vector<1x16xf32> to vector<16xf32>
        %mul3A_429 = vector.broadcast %squeeze3A_413 : f32 to vector<16xf32>
        %mul3A_430 = arith.mulf %get3A_428, %mul3A_429 : vector<16xf32>
        %add3A_431 = arith.addf %add3A_411, %mul3A_430 : vector<16xf32>
        %slice3A_432 = vector.extract_strided_slice %select_n3A {offsets = [12], sizes = [1], strides = [1]} : vector<16xf32> to vector<1xf32>
        %squeeze3A_433 = vector.extract %slice3A_432[0] : f32 from vector<1xf32>
        %add3A_434 = arith.constant 12 : i32
        %add3A_435 = arith.addi %mul3A_168, %add3A_434 : i32
        %get3A_436 = arith.index_cast %add3A_435 : i32 to index
        %get3A_437 = arith.constant 0 : index
        %get3A_438 = tpu.vector_load %arg6[%get3A_436, %get3A_437] {strides = array<i32>} : memref<640x32xf32, #tpu.memory_space<vmem>>, vector<1x16xf32>,
        %get3A_439 = vector.shape_cast %get3A_438 : vector<1x16xf32> to vector<16xf32>
        %mul3A_440 = vector.broadcast %squeeze3A_433 : f32 to vector<16xf32>
        %mul3A_441 = arith.mulf %get3A_439, %mul3A_440 : vector<16xf32>
        %add3A_442 = arith.addf %add3A_422, %mul3A_441 : vector<16xf32>
        %add3A_443 = arith.constant 12 : i32
        %add3A_444 = arith.addi %mul3A_168, %add3A_443 : i32
        %get3A_445 = arith.index_cast %add3A_444 : i32 to index
        %get3A_446 = arith.constant 16 : index
        %get3A_447 = tpu.vector_load %arg6[%get3A_445, %get3A_446] {strides = array<i32>} : memref<640x32xf32, #tpu.memory_space<vmem>>, vector<1x16xf32>,
        %get3A_448 = vector.shape_cast %get3A_447 : vector<1x16xf32> to vector<16xf32>
        %mul3A_449 = vector.broadcast %squeeze3A_433 : f32 to vector<16xf32>
        %mul3A_450 = arith.mulf %get3A_448, %mul3A_449 : vector<16xf32>
        %add3A_451 = arith.addf %add3A_431, %mul3A_450 : vector<16xf32>
        %slice3A_452 = vector.extract_strided_slice %select_n3A {offsets = [13], sizes = [1], strides = [1]} : vector<16xf32> to vector<1xf32>
        %squeeze3A_453 = vector.extract %slice3A_452[0] : f32 from vector<1xf32>
        %add3A_454 = arith.constant 13 : i32
        %add3A_455 = arith.addi %mul3A_168, %add3A_454 : i32
        %get3A_456 = arith.index_cast %add3A_455 : i32 to index
        %get3A_457 = arith.constant 0 : index
        %get3A_458 = tpu.vector_load %arg6[%get3A_456, %get3A_457] {strides = array<i32>} : memref<640x32xf32, #tpu.memory_space<vmem>>, vector<1x16xf32>,
        %get3A_459 = vector.shape_cast %get3A_458 : vector<1x16xf32> to vector<16xf32>
        %mul3A_460 = vector.broadcast %squeeze3A_453 : f32 to vector<16xf32>
        %mul3A_461 = arith.mulf %get3A_459, %mul3A_460 : vector<16xf32>
        %add3A_462 = arith.addf %add3A_442, %mul3A_461 : vector<16xf32>
        %add3A_463 = arith.constant 13 : i32
        %add3A_464 = arith.addi %mul3A_168, %add3A_463 : i32
        %get3A_465 = arith.index_cast %add3A_464 : i32 to index
        %get3A_466 = arith.constant 16 : index
        %get3A_467 = tpu.vector_load %arg6[%get3A_465, %get3A_466] {strides = array<i32>} : memref<640x32xf32, #tpu.memory_space<vmem>>, vector<1x16xf32>,
        %get3A_468 = vector.shape_cast %get3A_467 : vector<1x16xf32> to vector<16xf32>
        %mul3A_469 = vector.broadcast %squeeze3A_453 : f32 to vector<16xf32>
        %mul3A_470 = arith.mulf %get3A_468, %mul3A_469 : vector<16xf32>
        %add3A_471 = arith.addf %add3A_451, %mul3A_470 : vector<16xf32>
        %slice3A_472 = vector.extract_strided_slice %select_n3A {offsets = [14], sizes = [1], strides = [1]} : vector<16xf32> to vector<1xf32>
        %squeeze3A_473 = vector.extract %slice3A_472[0] : f32 from vector<1xf32>
        %add3A_474 = arith.constant 14 : i32
        %add3A_475 = arith.addi %mul3A_168, %add3A_474 : i32
        %get3A_476 = arith.index_cast %add3A_475 : i32 to index
        %get3A_477 = arith.constant 0 : index
        %get3A_478 = tpu.vector_load %arg6[%get3A_476, %get3A_477] {strides = array<i32>} : memref<640x32xf32, #tpu.memory_space<vmem>>, vector<1x16xf32>,
        %get3A_479 = vector.shape_cast %get3A_478 : vector<1x16xf32> to vector<16xf32>
        %mul3A_480 = vector.broadcast %squeeze3A_473 : f32 to vector<16xf32>
        %mul3A_481 = arith.mulf %get3A_479, %mul3A_480 : vector<16xf32>
        %add3A_482 = arith.addf %add3A_462, %mul3A_481 : vector<16xf32>
        %add3A_483 = arith.constant 14 : i32
        %add3A_484 = arith.addi %mul3A_168, %add3A_483 : i32
        %get3A_485 = arith.index_cast %add3A_484 : i32 to index
        %get3A_486 = arith.constant 16 : index
        %get3A_487 = tpu.vector_load %arg6[%get3A_485, %get3A_486] {strides = array<i32>} : memref<640x32xf32, #tpu.memory_space<vmem>>, vector<1x16xf32>,
        %get3A_488 = vector.shape_cast %get3A_487 : vector<1x16xf32> to vector<16xf32>
        %mul3A_489 = vector.broadcast %squeeze3A_473 : f32 to vector<16xf32>
        %mul3A_490 = arith.mulf %get3A_488, %mul3A_489 : vector<16xf32>
        %add3A_491 = arith.addf %add3A_471, %mul3A_490 : vector<16xf32>
        %slice3A_492 = vector.extract_strided_slice %select_n3A {offsets = [15], sizes = [1], strides = [1]} : vector<16xf32> to vector<1xf32>
        %squeeze3A_493 = vector.extract %slice3A_492[0] : f32 from vector<1xf32>
        %add3A_494 = arith.constant 15 : i32
        %add3A_495 = arith.addi %mul3A_168, %add3A_494 : i32
        %get3A_496 = arith.index_cast %add3A_495 : i32 to index
        %get3A_497 = arith.constant 0 : index
        %get3A_498 = tpu.vector_load %arg6[%get3A_496, %get3A_497] {strides = array<i32>} : memref<640x32xf32, #tpu.memory_space<vmem>>, vector<1x16xf32>,
        %get3A_499 = vector.shape_cast %get3A_498 : vector<1x16xf32> to vector<16xf32>
        %mul3A_500 = vector.broadcast %squeeze3A_493 : f32 to vector<16xf32>
        %mul3A_501 = arith.mulf %get3A_499, %mul3A_500 : vector<16xf32>
        %add3A_502 = arith.addf %add3A_482, %mul3A_501 : vector<16xf32>
        %add3A_503 = arith.constant 15 : i32
        %add3A_504 = arith.addi %mul3A_168, %add3A_503 : i32
        %get3A_505 = arith.index_cast %add3A_504 : i32 to index
        %get3A_506 = arith.constant 16 : index
        %get3A_507 = tpu.vector_load %arg6[%get3A_505, %get3A_506] {strides = array<i32>} : memref<640x32xf32, #tpu.memory_space<vmem>>, vector<1x16xf32>,
        %get3A_508 = vector.shape_cast %get3A_507 : vector<1x16xf32> to vector<16xf32>
        %mul3A_509 = vector.broadcast %squeeze3A_493 : f32 to vector<16xf32>
        %mul3A_510 = arith.mulf %get3A_508, %mul3A_509 : vector<16xf32>
        %add3A_511 = arith.addf %add3A_491, %mul3A_510 : vector<16xf32>
        %slice3A_512 = vector.extract_strided_slice %select_n3A_189 {offsets = [0], sizes = [1], strides = [1]} : vector<16xf32> to vector<1xf32>
        %squeeze3A_513 = vector.extract %slice3A_512[0] : f32 from vector<1xf32>
        %add3A_514 = arith.constant 16 : i32
        %add3A_515 = arith.addi %mul3A_168, %add3A_514 : i32
        %get3A_516 = arith.index_cast %add3A_515 : i32 to index
        %get3A_517 = arith.constant 0 : index
        %get3A_518 = tpu.vector_load %arg6[%get3A_516, %get3A_517] {strides = array<i32>} : memref<640x32xf32, #tpu.memory_space<vmem>>, vector<1x16xf32>,
        %get3A_519 = vector.shape_cast %get3A_518 : vector<1x16xf32> to vector<16xf32>
        %mul3A_520 = vector.broadcast %squeeze3A_513 : f32 to vector<16xf32>
        %mul3A_521 = arith.mulf %get3A_519, %mul3A_520 : vector<16xf32>
        %add3A_522 = arith.addf %add3A_502, %mul3A_521 : vector<16xf32>
        %add3A_523 = arith.constant 16 : i32
        %add3A_524 = arith.addi %mul3A_168, %add3A_523 : i32
        %get3A_525 = arith.index_cast %add3A_524 : i32 to index
        %get3A_526 = arith.constant 16 : index
        %get3A_527 = tpu.vector_load %arg6[%get3A_525, %get3A_526] {strides = array<i32>} : memref<640x32xf32, #tpu.memory_space<vmem>>, vector<1x16xf32>,
        %get3A_528 = vector.shape_cast %get3A_527 : vector<1x16xf32> to vector<16xf32>
        %mul3A_529 = vector.broadcast %squeeze3A_513 : f32 to vector<16xf32>
        %mul3A_530 = arith.mulf %get3A_528, %mul3A_529 : vector<16xf32>
        %add3A_531 = arith.addf %add3A_511, %mul3A_530 : vector<16xf32>
        %slice3A_532 = vector.extract_strided_slice %select_n3A_189 {offsets = [1], sizes = [1], strides = [1]} : vector<16xf32> to vector<1xf32>
        %squeeze3A_533 = vector.extract %slice3A_532[0] : f32 from vector<1xf32>
        %add3A_534 = arith.constant 17 : i32
        %add3A_535 = arith.addi %mul3A_168, %add3A_534 : i32
        %get3A_536 = arith.index_cast %add3A_535 : i32 to index
        %get3A_537 = arith.constant 0 : index
        %get3A_538 = tpu.vector_load %arg6[%get3A_536, %get3A_537] {strides = array<i32>} : memref<640x32xf32, #tpu.memory_space<vmem>>, vector<1x16xf32>,
        %get3A_539 = vector.shape_cast %get3A_538 : vector<1x16xf32> to vector<16xf32>
        %mul3A_540 = vector.broadcast %squeeze3A_533 : f32 to vector<16xf32>
        %mul3A_541 = arith.mulf %get3A_539, %mul3A_540 : vector<16xf32>
        %add3A_542 = arith.addf %add3A_522, %mul3A_541 : vector<16xf32>
        %add3A_543 = arith.constant 17 : i32
        %add3A_544 = arith.addi %mul3A_168, %add3A_543 : i32
        %get3A_545 = arith.index_cast %add3A_544 : i32 to index
        %get3A_546 = arith.constant 16 : index
        %get3A_547 = tpu.vector_load %arg6[%get3A_545, %get3A_546] {strides = array<i32>} : memref<640x32xf32, #tpu.memory_space<vmem>>, vector<1x16xf32>,
        %get3A_548 = vector.shape_cast %get3A_547 : vector<1x16xf32> to vector<16xf32>
        %mul3A_549 = vector.broadcast %squeeze3A_533 : f32 to vector<16xf32>
        %mul3A_550 = arith.mulf %get3A_548, %mul3A_549 : vector<16xf32>
        %add3A_551 = arith.addf %add3A_531, %mul3A_550 : vector<16xf32>
        %slice3A_552 = vector.extract_strided_slice %select_n3A_189 {offsets = [2], sizes = [1], strides = [1]} : vector<16xf32> to vector<1xf32>
        %squeeze3A_553 = vector.extract %slice3A_552[0] : f32 from vector<1xf32>
        %add3A_554 = arith.constant 18 : i32
        %add3A_555 = arith.addi %mul3A_168, %add3A_554 : i32
        %get3A_556 = arith.index_cast %add3A_555 : i32 to index
        %get3A_557 = arith.constant 0 : index
        %get3A_558 = tpu.vector_load %arg6[%get3A_556, %get3A_557] {strides = array<i32>} : memref<640x32xf32, #tpu.memory_space<vmem>>, vector<1x16xf32>,
        %get3A_559 = vector.shape_cast %get3A_558 : vector<1x16xf32> to vector<16xf32>
        %mul3A_560 = vector.broadcast %squeeze3A_553 : f32 to vector<16xf32>
        %mul3A_561 = arith.mulf %get3A_559, %mul3A_560 : vector<16xf32>
        %add3A_562 = arith.addf %add3A_542, %mul3A_561 : vector<16xf32>
        %add3A_563 = arith.constant 18 : i32
        %add3A_564 = arith.addi %mul3A_168, %add3A_563 : i32
        %get3A_565 = arith.index_cast %add3A_564 : i32 to index
        %get3A_566 = arith.constant 16 : index
        %get3A_567 = tpu.vector_load %arg6[%get3A_565, %get3A_566] {strides = array<i32>} : memref<640x32xf32, #tpu.memory_space<vmem>>, vector<1x16xf32>,
        %get3A_568 = vector.shape_cast %get3A_567 : vector<1x16xf32> to vector<16xf32>
        %mul3A_569 = vector.broadcast %squeeze3A_553 : f32 to vector<16xf32>
        %mul3A_570 = arith.mulf %get3A_568, %mul3A_569 : vector<16xf32>
        %add3A_571 = arith.addf %add3A_551, %mul3A_570 : vector<16xf32>
        %slice3A_572 = vector.extract_strided_slice %select_n3A_189 {offsets = [3], sizes = [1], strides = [1]} : vector<16xf32> to vector<1xf32>
        %squeeze3A_573 = vector.extract %slice3A_572[0] : f32 from vector<1xf32>
        %add3A_574 = arith.constant 19 : i32
        %add3A_575 = arith.addi %mul3A_168, %add3A_574 : i32
        %get3A_576 = arith.index_cast %add3A_575 : i32 to index
        %get3A_577 = arith.constant 0 : index
        %get3A_578 = tpu.vector_load %arg6[%get3A_576, %get3A_577] {strides = array<i32>} : memref<640x32xf32, #tpu.memory_space<vmem>>, vector<1x16xf32>,
        %get3A_579 = vector.shape_cast %get3A_578 : vector<1x16xf32> to vector<16xf32>
        %mul3A_580 = vector.broadcast %squeeze3A_573 : f32 to vector<16xf32>
        %mul3A_581 = arith.mulf %get3A_579, %mul3A_580 : vector<16xf32>
        %add3A_582 = arith.addf %add3A_562, %mul3A_581 : vector<16xf32>
        %add3A_583 = arith.constant 19 : i32
        %add3A_584 = arith.addi %mul3A_168, %add3A_583 : i32
        %get3A_585 = arith.index_cast %add3A_584 : i32 to index
        %get3A_586 = arith.constant 16 : index
        %get3A_587 = tpu.vector_load %arg6[%get3A_585, %get3A_586] {strides = array<i32>} : memref<640x32xf32, #tpu.memory_space<vmem>>, vector<1x16xf32>,
        %get3A_588 = vector.shape_cast %get3A_587 : vector<1x16xf32> to vector<16xf32>
        %mul3A_589 = vector.broadcast %squeeze3A_573 : f32 to vector<16xf32>
        %mul3A_590 = arith.mulf %get3A_588, %mul3A_589 : vector<16xf32>
        %add3A_591 = arith.addf %add3A_571, %mul3A_590 : vector<16xf32>
        %mul3A_592 = arith.constant 32 : i32
        %mul3A_593 = arith.muli %scan3A_166, %mul3A_592 : i32
        %swap3A = arith.index_cast %mul3A_593 : i32 to index
        %swap3A_594 = tpu.vector_load %arg8[%swap3A] {strides = array<i32>} : memref<1024xf32, #tpu.memory_space<vmem>>, vector<16xf32>,
        %swap3A_595 = vector.shape_cast %swap3A_594 : vector<16xf32> to vector<16xf32>
        %swap3A_596 = vector.shape_cast %add3A_582 : vector<16xf32> to vector<16xf32>
        tpu.vector_store %arg8[%swap3A], %swap3A_596 {strides = array<i32>} : memref<1024xf32, #tpu.memory_space<vmem>>, vector<16xf32>,
        %mul3A_597 = arith.constant 32 : i32
        %mul3A_598 = arith.muli %scan3A_166, %mul3A_597 : i32
        %add3A_599 = arith.constant 16 : i32
        %add3A_600 = arith.addi %mul3A_598, %add3A_599 : i32
        %swap3A_601 = arith.index_cast %add3A_600 : i32 to index
        %swap3A_602 = tpu.vector_load %arg8[%swap3A_601] {strides = array<i32>} : memref<1024xf32, #tpu.memory_space<vmem>>, vector<16xf32>,
        %swap3A_603 = vector.shape_cast %swap3A_602 : vector<16xf32> to vector<16xf32>
        %swap3A_604 = vector.shape_cast %add3A_591 : vector<16xf32> to vector<16xf32>
        tpu.vector_store %arg8[%swap3A_601], %swap3A_604 {strides = array<i32>} : memref<1024xf32, #tpu.memory_space<vmem>>, vector<16xf32>,
      }
      %scan3A_127 = arith.constant 32 : i32
      %mul3A_128 = arith.constant 106496 : i32
      %mul3A_129 = arith.muli %add3A, %mul3A_128 : i32
      %mul3A_130 = arith.constant 1024 : i32
      %mul3A_131 = arith.muli %mul3A_55, %mul3A_130 : i32
      %add3A_132 = arith.addi %mul3A_129, %mul3A_131 : i32
      %dma_start3A_133 = tpu.memref_slice %arg4[%add3A_132] : memref<3407872xf32, #tpu.memory_space<hbm>> -> memref<1024xf32, #tpu.memory_space<hbm>>
      %dma_start3A_134 = tpu.memref_slice %arg4[%add3A_132] : memref<3407872xf32, #tpu.memory_space<hbm>> -> memref<1024xf32, #tpu.memory_space<hbm>>
      tpu.enqueue_dma source(%arg8 : memref<1024xf32, #tpu.memory_space<vmem>>) target(%dma_start3A_134 : memref<1024xf32, #tpu.memory_space<hbm>>) target_semaphore(%arg12 : memref<!tpu.dma_semaphore, #tpu.memory_space<semaphore_mem>>)
      %add3A_135 = arith.constant 2 : i32
      %add3A_136 = arith.addi %mul3A_55, %add3A_135 : i32
      %lt3A = arith.constant 104 : i32
      %lt3A_137 = arith.cmpi slt, %add3A_136, %lt3A : i32
      %convert_element_type3A_138 = arith.extui %lt3A_137 : i1 to i32
      %cond3A_139 = arith.constant 0 : i32
      %cond3A_140 = arith.cmpi ne, %convert_element_type3A_138, %cond3A_139 : i32
      scf.if %cond3A_140 {
        %add3A_166 = arith.constant 2 : i32
        %add3A_167 = arith.addi %mul3A_55, %add3A_166 : i32
        %mul3A_168 = arith.constant 640 : i32
        %mul3A_169 = arith.muli %add3A_167, %mul3A_168 : i32
        %add3A_170 = arith.constant 0 : i32
        %add3A_171 = arith.addi %mul3A_169, %add3A_170 : i32
        %dma_start3A_172 = arith.constant 0 : i32
        %dma_start3A_173 = arith.constant 0 : i32
        %dma_start3A_174 = tpu.memref_slice %arg6[%dma_start3A_172, %dma_start3A_173] : memref<640x32xf32, #tpu.memory_space<vmem>> -> memref<128x32xf32, #tpu.memory_space<vmem>>
        %dma_start3A_175 = tpu.memref_slice %arg5[%add3A_171] : memref<66576xi32, #tpu.memory_space<vmem>> -> memref<128xi32, #tpu.memory_space<vmem>>
        %dma_start3A_176 = arith.constant 0 : i32
        %dma_start3A_177 = arith.constant 0 : i32
        %dma_start3A_178 = tpu.memref_slice %arg2[%dma_start3A_176, %dma_start3A_177] : memref<1015808x32xf32, #tpu.memory_space<hbm>> -> memref<1015808x32xf32, #tpu.memory_space<hbm>>
        tpu.enqueue_indirect_dma source(%dma_start3A_178 : memref<1015808x32xf32, #tpu.memory_space<hbm>>) target(%dma_start3A_174 : memref<128x32xf32, #tpu.memory_space<vmem>>) offsets(%dma_start3A_175 : memref<128xi32, #tpu.memory_space<vmem>>) semaphore(%arg10 : memref<!tpu.dma_semaphore, #tpu.memory_space<semaphore_mem>>)
        %mul3A_179 = arith.constant 640 : i32
        %mul3A_180 = arith.muli %add3A_167, %mul3A_179 : i32
        %add3A_181 = arith.constant 128 : i32
        %add3A_182 = arith.addi %mul3A_180, %add3A_181 : i32
        %dma_start3A_183 = arith.constant 128 : i32
        %dma_start3A_184 = arith.constant 0 : i32
        %dma_start3A_185 = tpu.memref_slice %arg6[%dma_start3A_183, %dma_start3A_184] : memref<640x32xf32, #tpu.memory_space<vmem>> -> memref<128x32xf32, #tpu.memory_space<vmem>>
        %dma_start3A_186 = tpu.memref_slice %arg5[%add3A_182] : memref<66576xi32, #tpu.memory_space<vmem>> -> memref<128xi32, #tpu.memory_space<vmem>>
        %dma_start3A_187 = arith.constant 0 : i32
        %dma_start3A_188 = arith.constant 0 : i32
        %dma_start3A_189 = tpu.memref_slice %arg2[%dma_start3A_187, %dma_start3A_188] : memref<1015808x32xf32, #tpu.memory_space<hbm>> -> memref<1015808x32xf32, #tpu.memory_space<hbm>>
        tpu.enqueue_indirect_dma source(%dma_start3A_189 : memref<1015808x32xf32, #tpu.memory_space<hbm>>) target(%dma_start3A_185 : memref<128x32xf32, #tpu.memory_space<vmem>>) offsets(%dma_start3A_186 : memref<128xi32, #tpu.memory_space<vmem>>) semaphore(%arg10 : memref<!tpu.dma_semaphore, #tpu.memory_space<semaphore_mem>>)
        %mul3A_190 = arith.constant 640 : i32
        %mul3A_191 = arith.muli %add3A_167, %mul3A_190 : i32
        %add3A_192 = arith.constant 256 : i32
        %add3A_193 = arith.addi %mul3A_191, %add3A_192 : i32
        %dma_start3A_194 = arith.constant 256 : i32
        %dma_start3A_195 = arith.constant 0 : i32
        %dma_start3A_196 = tpu.memref_slice %arg6[%dma_start3A_194, %dma_start3A_195] : memref<640x32xf32, #tpu.memory_space<vmem>> -> memref<128x32xf32, #tpu.memory_space<vmem>>
        %dma_start3A_197 = tpu.memref_slice %arg5[%add3A_193] : memref<66576xi32, #tpu.memory_space<vmem>> -> memref<128xi32, #tpu.memory_space<vmem>>
        %dma_start3A_198 = arith.constant 0 : i32
        %dma_start3A_199 = arith.constant 0 : i32
        %dma_start3A_200 = tpu.memref_slice %arg2[%dma_start3A_198, %dma_start3A_199] : memref<1015808x32xf32, #tpu.memory_space<hbm>> -> memref<1015808x32xf32, #tpu.memory_space<hbm>>
        tpu.enqueue_indirect_dma source(%dma_start3A_200 : memref<1015808x32xf32, #tpu.memory_space<hbm>>) target(%dma_start3A_196 : memref<128x32xf32, #tpu.memory_space<vmem>>) offsets(%dma_start3A_197 : memref<128xi32, #tpu.memory_space<vmem>>) semaphore(%arg10 : memref<!tpu.dma_semaphore, #tpu.memory_space<semaphore_mem>>)
        %mul3A_201 = arith.constant 640 : i32
        %mul3A_202 = arith.muli %add3A_167, %mul3A_201 : i32
        %add3A_203 = arith.constant 384 : i32
        %add3A_204 = arith.addi %mul3A_202, %add3A_203 : i32
        %dma_start3A_205 = arith.constant 384 : i32
        %dma_start3A_206 = arith.constant 0 : i32
        %dma_start3A_207 = tpu.memref_slice %arg6[%dma_start3A_205, %dma_start3A_206] : memref<640x32xf32, #tpu.memory_space<vmem>> -> memref<128x32xf32, #tpu.memory_space<vmem>>
        %dma_start3A_208 = tpu.memref_slice %arg5[%add3A_204] : memref<66576xi32, #tpu.memory_space<vmem>> -> memref<128xi32, #tpu.memory_space<vmem>>
        %dma_start3A_209 = arith.constant 0 : i32
        %dma_start3A_210 = arith.constant 0 : i32
        %dma_start3A_211 = tpu.memref_slice %arg2[%dma_start3A_209, %dma_start3A_210] : memref<1015808x32xf32, #tpu.memory_space<hbm>> -> memref<1015808x32xf32, #tpu.memory_space<hbm>>
        tpu.enqueue_indirect_dma source(%dma_start3A_211 : memref<1015808x32xf32, #tpu.memory_space<hbm>>) target(%dma_start3A_207 : memref<128x32xf32, #tpu.memory_space<vmem>>) offsets(%dma_start3A_208 : memref<128xi32, #tpu.memory_space<vmem>>) semaphore(%arg10 : memref<!tpu.dma_semaphore, #tpu.memory_space<semaphore_mem>>)
        %mul3A_212 = arith.constant 640 : i32
        %mul3A_213 = arith.muli %add3A_167, %mul3A_212 : i32
        %add3A_214 = arith.constant 512 : i32
        %add3A_215 = arith.addi %mul3A_213, %add3A_214 : i32
        %dma_start3A_216 = arith.constant 512 : i32
        %dma_start3A_217 = arith.constant 0 : i32
        %dma_start3A_218 = tpu.memref_slice %arg6[%dma_start3A_216, %dma_start3A_217] : memref<640x32xf32, #tpu.memory_space<vmem>> -> memref<128x32xf32, #tpu.memory_space<vmem>>
        %dma_start3A_219 = tpu.memref_slice %arg5[%add3A_215] : memref<66576xi32, #tpu.memory_space<vmem>> -> memref<128xi32, #tpu.memory_space<vmem>>
        %dma_start3A_220 = arith.constant 0 : i32
        %dma_start3A_221 = arith.constant 0 : i32
        %dma_start3A_222 = tpu.memref_slice %arg2[%dma_start3A_220, %dma_start3A_221] : memref<1015808x32xf32, #tpu.memory_space<hbm>> -> memref<1015808x32xf32, #tpu.memory_space<hbm>>
        tpu.enqueue_indirect_dma source(%dma_start3A_222 : memref<1015808x32xf32, #tpu.memory_space<hbm>>) target(%dma_start3A_218 : memref<128x32xf32, #tpu.memory_space<vmem>>) offsets(%dma_start3A_219 : memref<128xi32, #tpu.memory_space<vmem>>) semaphore(%arg10 : memref<!tpu.dma_semaphore, #tpu.memory_space<semaphore_mem>>)
      } else {
      }
      %dma_wait3A_141 = arith.constant 0 : i32
      %dma_wait3A_142 = arith.constant 0 : i32
      %dma_wait3A_143 = tpu.memref_slice %arg2[%dma_wait3A_141, %dma_wait3A_142] : memref<1015808x32xf32, #tpu.memory_space<hbm>> -> memref<640x32xf32, #tpu.memory_space<hbm>>
      %dma_wait3A_144 = arith.constant 0 : i32
      %dma_wait3A_145 = arith.constant 0 : i32
      %dma_wait3A_146 = tpu.memref_slice %arg2[%dma_wait3A_144, %dma_wait3A_145] : memref<1015808x32xf32, #tpu.memory_space<hbm>> -> memref<640x32xf32, #tpu.memory_space<hbm>>
      tpu.wait_dma2 semaphore(%arg11 : memref<!tpu.dma_semaphore, #tpu.memory_space<semaphore_mem>>) src(%dma_wait3A_146 : memref<640x32xf32, #tpu.memory_space<hbm>>) dst(%arg7 : memref<640x32xf32, #tpu.memory_space<vmem>>)
      %gt3A_147 = arith.constant 0 : i32
      %gt3A_148 = arith.cmpi sgt, %scan3A_53, %gt3A_147 : i32
      %convert_element_type3A_149 = arith.extui %gt3A_148 : i1 to i32
      %cond3A_150 = arith.constant 0 : i32
      %cond3A_151 = arith.cmpi ne, %convert_element_type3A_149, %cond3A_150 : i32
      scf.if %cond3A_151 {
        %dma_wait3A_166 = arith.constant 0 : i32
        %dma_wait3A_167 = tpu.memref_slice %arg4[%dma_wait3A_166] : memref<3407872xf32, #tpu.memory_space<hbm>> -> memref<1024xf32, #tpu.memory_space<hbm>>
        %dma_wait3A_168 = arith.constant 0 : i32
        %dma_wait3A_169 = tpu.memref_slice %arg4[%dma_wait3A_168] : memref<3407872xf32, #tpu.memory_space<hbm>> -> memref<1024xf32, #tpu.memory_space<hbm>>
        tpu.wait_dma2 semaphore(%arg13 : memref<!tpu.dma_semaphore, #tpu.memory_space<semaphore_mem>>) src(%arg9 : memref<1024xf32, #tpu.memory_space<vmem>>) dst(%dma_wait3A_169 : memref<1024xf32, #tpu.memory_space<hbm>>)
      } else {
      }
      %mul3A_152 = arith.constant 640 : i32
      %mul3A_153 = arith.muli %add3A_57, %mul3A_152 : i32
      %scan3A_154 = arith.constant 0 : i32
      %scan3A_155 = arith.constant 32 : i32
      %scan3A_156 = arith.addi %scan3A_154, %scan3A_155 : i32
      %scan3A_157 = arith.constant 1 : i32
      scf.for %scan3A_166 = %scan3A_154 to %scan3A_156 step %scan3A_157  : i32 {
        %mul3A_167 = arith.constant 20 : i32
        %mul3A_168 = arith.muli %scan3A_166, %mul3A_167 : i32
        %add3A_169 = arith.addi %mul3A_153, %mul3A_168 : i32
        %get3A = arith.index_cast %add3A_169 : i32 to index
        %get3A_170 = tpu.vector_load %arg5[%get3A] {strides = array<i32>} : memref<66576xi32, #tpu.memory_space<vmem>>, vector<16xi32>,
        %get3A_171 = vector.shape_cast %get3A_170 : vector<16xi32> to vector<16xi32>
        %ne3A = arith.constant 0 : i32
        %ne3A_172 = vector.broadcast %ne3A : i32 to vector<16xi32>
        %ne3A_173 = arith.cmpi ne, %get3A_171, %ne3A_172 : vector<16xi32>
        %jit3A = arith.constant 1.000000e+00 : f32
        %jit3A_174 = arith.constant 0.000000e+00 : f32
        %broadcast_in_dim3A = vector.broadcast %jit3A : f32 to vector<16xf32>
        %broadcast_in_dim3A_175 = vector.broadcast %jit3A_174 : f32 to vector<16xf32>
        %select_n3A = arith.select %ne3A_173, %broadcast_in_dim3A, %broadcast_in_dim3A_175 : vector<16xi1>, vector<16xf32>
        %add3A_176 = arith.addi %mul3A_153, %mul3A_168 : i32
        %add3A_177 = arith.constant 16 : i32
        %add3A_178 = arith.addi %add3A_176, %add3A_177 : i32
        %get3A_179 = arith.index_cast %add3A_178 : i32 to index
        %get3A_180 = tpu.vector_load %arg5[%get3A_179] {strides = array<i32>} : memref<66576xi32, #tpu.memory_space<vmem>>, vector<16xi32>,
        %get3A_181 = vector.shape_cast %get3A_180 : vector<16xi32> to vector<16xi32>
        %ne3A_182 = arith.constant 0 : i32
        %ne3A_183 = vector.broadcast %ne3A_182 : i32 to vector<16xi32>
        %ne3A_184 = arith.cmpi ne, %get3A_181, %ne3A_183 : vector<16xi32>
        %jit3A_185 = arith.constant 1.000000e+00 : f32
        %jit3A_186 = arith.constant 0.000000e+00 : f32
        %broadcast_in_dim3A_187 = vector.broadcast %jit3A_185 : f32 to vector<16xf32>
        %broadcast_in_dim3A_188 = vector.broadcast %jit3A_186 : f32 to vector<16xf32>
        %select_n3A_189 = arith.select %ne3A_184, %broadcast_in_dim3A_187, %broadcast_in_dim3A_188 : vector<16xi1>, vector<16xf32>
        %broadcast_in_dim3A_190 = arith.constant 0.000000e+00 : f32
        %broadcast_in_dim3A_191 = vector.broadcast %broadcast_in_dim3A_190 : f32 to vector<16xf32>
        %broadcast_in_dim3A_192 = arith.constant 0.000000e+00 : f32
        %broadcast_in_dim3A_193 = vector.broadcast %broadcast_in_dim3A_192 : f32 to vector<16xf32>
        %slice3A = vector.extract_strided_slice %select_n3A {offsets = [0], sizes = [1], strides = [1]} : vector<16xf32> to vector<1xf32>
        %squeeze3A = vector.extract %slice3A[0] : f32 from vector<1xf32>
        %add3A_194 = arith.constant 0 : i32
        %add3A_195 = arith.addi %mul3A_168, %add3A_194 : i32
        %get3A_196 = arith.index_cast %add3A_195 : i32 to index
        %get3A_197 = arith.constant 0 : index
        %get3A_198 = tpu.vector_load %arg7[%get3A_196, %get3A_197] {strides = array<i32>} : memref<640x32xf32, #tpu.memory_space<vmem>>, vector<1x16xf32>,
        %get3A_199 = vector.shape_cast %get3A_198 : vector<1x16xf32> to vector<16xf32>
        %mul3A_200 = vector.broadcast %squeeze3A : f32 to vector<16xf32>
        %mul3A_201 = arith.mulf %get3A_199, %mul3A_200 : vector<16xf32>
        %add3A_202 = arith.addf %broadcast_in_dim3A_191, %mul3A_201 : vector<16xf32>
        %add3A_203 = arith.constant 0 : i32
        %add3A_204 = arith.addi %mul3A_168, %add3A_203 : i32
        %get3A_205 = arith.index_cast %add3A_204 : i32 to index
        %get3A_206 = arith.constant 16 : index
        %get3A_207 = tpu.vector_load %arg7[%get3A_205, %get3A_206] {strides = array<i32>} : memref<640x32xf32, #tpu.memory_space<vmem>>, vector<1x16xf32>,
        %get3A_208 = vector.shape_cast %get3A_207 : vector<1x16xf32> to vector<16xf32>
        %mul3A_209 = vector.broadcast %squeeze3A : f32 to vector<16xf32>
        %mul3A_210 = arith.mulf %get3A_208, %mul3A_209 : vector<16xf32>
        %add3A_211 = arith.addf %broadcast_in_dim3A_193, %mul3A_210 : vector<16xf32>
        %slice3A_212 = vector.extract_strided_slice %select_n3A {offsets = [1], sizes = [1], strides = [1]} : vector<16xf32> to vector<1xf32>
        %squeeze3A_213 = vector.extract %slice3A_212[0] : f32 from vector<1xf32>
        %add3A_214 = arith.constant 1 : i32
        %add3A_215 = arith.addi %mul3A_168, %add3A_214 : i32
        %get3A_216 = arith.index_cast %add3A_215 : i32 to index
        %get3A_217 = arith.constant 0 : index
        %get3A_218 = tpu.vector_load %arg7[%get3A_216, %get3A_217] {strides = array<i32>} : memref<640x32xf32, #tpu.memory_space<vmem>>, vector<1x16xf32>,
        %get3A_219 = vector.shape_cast %get3A_218 : vector<1x16xf32> to vector<16xf32>
        %mul3A_220 = vector.broadcast %squeeze3A_213 : f32 to vector<16xf32>
        %mul3A_221 = arith.mulf %get3A_219, %mul3A_220 : vector<16xf32>
        %add3A_222 = arith.addf %add3A_202, %mul3A_221 : vector<16xf32>
        %add3A_223 = arith.constant 1 : i32
        %add3A_224 = arith.addi %mul3A_168, %add3A_223 : i32
        %get3A_225 = arith.index_cast %add3A_224 : i32 to index
        %get3A_226 = arith.constant 16 : index
        %get3A_227 = tpu.vector_load %arg7[%get3A_225, %get3A_226] {strides = array<i32>} : memref<640x32xf32, #tpu.memory_space<vmem>>, vector<1x16xf32>,
        %get3A_228 = vector.shape_cast %get3A_227 : vector<1x16xf32> to vector<16xf32>
        %mul3A_229 = vector.broadcast %squeeze3A_213 : f32 to vector<16xf32>
        %mul3A_230 = arith.mulf %get3A_228, %mul3A_229 : vector<16xf32>
        %add3A_231 = arith.addf %add3A_211, %mul3A_230 : vector<16xf32>
        %slice3A_232 = vector.extract_strided_slice %select_n3A {offsets = [2], sizes = [1], strides = [1]} : vector<16xf32> to vector<1xf32>
        %squeeze3A_233 = vector.extract %slice3A_232[0] : f32 from vector<1xf32>
        %add3A_234 = arith.constant 2 : i32
        %add3A_235 = arith.addi %mul3A_168, %add3A_234 : i32
        %get3A_236 = arith.index_cast %add3A_235 : i32 to index
        %get3A_237 = arith.constant 0 : index
        %get3A_238 = tpu.vector_load %arg7[%get3A_236, %get3A_237] {strides = array<i32>} : memref<640x32xf32, #tpu.memory_space<vmem>>, vector<1x16xf32>,
        %get3A_239 = vector.shape_cast %get3A_238 : vector<1x16xf32> to vector<16xf32>
        %mul3A_240 = vector.broadcast %squeeze3A_233 : f32 to vector<16xf32>
        %mul3A_241 = arith.mulf %get3A_239, %mul3A_240 : vector<16xf32>
        %add3A_242 = arith.addf %add3A_222, %mul3A_241 : vector<16xf32>
        %add3A_243 = arith.constant 2 : i32
        %add3A_244 = arith.addi %mul3A_168, %add3A_243 : i32
        %get3A_245 = arith.index_cast %add3A_244 : i32 to index
        %get3A_246 = arith.constant 16 : index
        %get3A_247 = tpu.vector_load %arg7[%get3A_245, %get3A_246] {strides = array<i32>} : memref<640x32xf32, #tpu.memory_space<vmem>>, vector<1x16xf32>,
        %get3A_248 = vector.shape_cast %get3A_247 : vector<1x16xf32> to vector<16xf32>
        %mul3A_249 = vector.broadcast %squeeze3A_233 : f32 to vector<16xf32>
        %mul3A_250 = arith.mulf %get3A_248, %mul3A_249 : vector<16xf32>
        %add3A_251 = arith.addf %add3A_231, %mul3A_250 : vector<16xf32>
        %slice3A_252 = vector.extract_strided_slice %select_n3A {offsets = [3], sizes = [1], strides = [1]} : vector<16xf32> to vector<1xf32>
        %squeeze3A_253 = vector.extract %slice3A_252[0] : f32 from vector<1xf32>
        %add3A_254 = arith.constant 3 : i32
        %add3A_255 = arith.addi %mul3A_168, %add3A_254 : i32
        %get3A_256 = arith.index_cast %add3A_255 : i32 to index
        %get3A_257 = arith.constant 0 : index
        %get3A_258 = tpu.vector_load %arg7[%get3A_256, %get3A_257] {strides = array<i32>} : memref<640x32xf32, #tpu.memory_space<vmem>>, vector<1x16xf32>,
        %get3A_259 = vector.shape_cast %get3A_258 : vector<1x16xf32> to vector<16xf32>
        %mul3A_260 = vector.broadcast %squeeze3A_253 : f32 to vector<16xf32>
        %mul3A_261 = arith.mulf %get3A_259, %mul3A_260 : vector<16xf32>
        %add3A_262 = arith.addf %add3A_242, %mul3A_261 : vector<16xf32>
        %add3A_263 = arith.constant 3 : i32
        %add3A_264 = arith.addi %mul3A_168, %add3A_263 : i32
        %get3A_265 = arith.index_cast %add3A_264 : i32 to index
        %get3A_266 = arith.constant 16 : index
        %get3A_267 = tpu.vector_load %arg7[%get3A_265, %get3A_266] {strides = array<i32>} : memref<640x32xf32, #tpu.memory_space<vmem>>, vector<1x16xf32>,
        %get3A_268 = vector.shape_cast %get3A_267 : vector<1x16xf32> to vector<16xf32>
        %mul3A_269 = vector.broadcast %squeeze3A_253 : f32 to vector<16xf32>
        %mul3A_270 = arith.mulf %get3A_268, %mul3A_269 : vector<16xf32>
        %add3A_271 = arith.addf %add3A_251, %mul3A_270 : vector<16xf32>
        %slice3A_272 = vector.extract_strided_slice %select_n3A {offsets = [4], sizes = [1], strides = [1]} : vector<16xf32> to vector<1xf32>
        %squeeze3A_273 = vector.extract %slice3A_272[0] : f32 from vector<1xf32>
        %add3A_274 = arith.constant 4 : i32
        %add3A_275 = arith.addi %mul3A_168, %add3A_274 : i32
        %get3A_276 = arith.index_cast %add3A_275 : i32 to index
        %get3A_277 = arith.constant 0 : index
        %get3A_278 = tpu.vector_load %arg7[%get3A_276, %get3A_277] {strides = array<i32>} : memref<640x32xf32, #tpu.memory_space<vmem>>, vector<1x16xf32>,
        %get3A_279 = vector.shape_cast %get3A_278 : vector<1x16xf32> to vector<16xf32>
        %mul3A_280 = vector.broadcast %squeeze3A_273 : f32 to vector<16xf32>
        %mul3A_281 = arith.mulf %get3A_279, %mul3A_280 : vector<16xf32>
        %add3A_282 = arith.addf %add3A_262, %mul3A_281 : vector<16xf32>
        %add3A_283 = arith.constant 4 : i32
        %add3A_284 = arith.addi %mul3A_168, %add3A_283 : i32
        %get3A_285 = arith.index_cast %add3A_284 : i32 to index
        %get3A_286 = arith.constant 16 : index
        %get3A_287 = tpu.vector_load %arg7[%get3A_285, %get3A_286] {strides = array<i32>} : memref<640x32xf32, #tpu.memory_space<vmem>>, vector<1x16xf32>,
        %get3A_288 = vector.shape_cast %get3A_287 : vector<1x16xf32> to vector<16xf32>
        %mul3A_289 = vector.broadcast %squeeze3A_273 : f32 to vector<16xf32>
        %mul3A_290 = arith.mulf %get3A_288, %mul3A_289 : vector<16xf32>
        %add3A_291 = arith.addf %add3A_271, %mul3A_290 : vector<16xf32>
        %slice3A_292 = vector.extract_strided_slice %select_n3A {offsets = [5], sizes = [1], strides = [1]} : vector<16xf32> to vector<1xf32>
        %squeeze3A_293 = vector.extract %slice3A_292[0] : f32 from vector<1xf32>
        %add3A_294 = arith.constant 5 : i32
        %add3A_295 = arith.addi %mul3A_168, %add3A_294 : i32
        %get3A_296 = arith.index_cast %add3A_295 : i32 to index
        %get3A_297 = arith.constant 0 : index
        %get3A_298 = tpu.vector_load %arg7[%get3A_296, %get3A_297] {strides = array<i32>} : memref<640x32xf32, #tpu.memory_space<vmem>>, vector<1x16xf32>,
        %get3A_299 = vector.shape_cast %get3A_298 : vector<1x16xf32> to vector<16xf32>
        %mul3A_300 = vector.broadcast %squeeze3A_293 : f32 to vector<16xf32>
        %mul3A_301 = arith.mulf %get3A_299, %mul3A_300 : vector<16xf32>
        %add3A_302 = arith.addf %add3A_282, %mul3A_301 : vector<16xf32>
        %add3A_303 = arith.constant 5 : i32
        %add3A_304 = arith.addi %mul3A_168, %add3A_303 : i32
        %get3A_305 = arith.index_cast %add3A_304 : i32 to index
        %get3A_306 = arith.constant 16 : index
        %get3A_307 = tpu.vector_load %arg7[%get3A_305, %get3A_306] {strides = array<i32>} : memref<640x32xf32, #tpu.memory_space<vmem>>, vector<1x16xf32>,
        %get3A_308 = vector.shape_cast %get3A_307 : vector<1x16xf32> to vector<16xf32>
        %mul3A_309 = vector.broadcast %squeeze3A_293 : f32 to vector<16xf32>
        %mul3A_310 = arith.mulf %get3A_308, %mul3A_309 : vector<16xf32>
        %add3A_311 = arith.addf %add3A_291, %mul3A_310 : vector<16xf32>
        %slice3A_312 = vector.extract_strided_slice %select_n3A {offsets = [6], sizes = [1], strides = [1]} : vector<16xf32> to vector<1xf32>
        %squeeze3A_313 = vector.extract %slice3A_312[0] : f32 from vector<1xf32>
        %add3A_314 = arith.constant 6 : i32
        %add3A_315 = arith.addi %mul3A_168, %add3A_314 : i32
        %get3A_316 = arith.index_cast %add3A_315 : i32 to index
        %get3A_317 = arith.constant 0 : index
        %get3A_318 = tpu.vector_load %arg7[%get3A_316, %get3A_317] {strides = array<i32>} : memref<640x32xf32, #tpu.memory_space<vmem>>, vector<1x16xf32>,
        %get3A_319 = vector.shape_cast %get3A_318 : vector<1x16xf32> to vector<16xf32>
        %mul3A_320 = vector.broadcast %squeeze3A_313 : f32 to vector<16xf32>
        %mul3A_321 = arith.mulf %get3A_319, %mul3A_320 : vector<16xf32>
        %add3A_322 = arith.addf %add3A_302, %mul3A_321 : vector<16xf32>
        %add3A_323 = arith.constant 6 : i32
        %add3A_324 = arith.addi %mul3A_168, %add3A_323 : i32
        %get3A_325 = arith.index_cast %add3A_324 : i32 to index
        %get3A_326 = arith.constant 16 : index
        %get3A_327 = tpu.vector_load %arg7[%get3A_325, %get3A_326] {strides = array<i32>} : memref<640x32xf32, #tpu.memory_space<vmem>>, vector<1x16xf32>,
        %get3A_328 = vector.shape_cast %get3A_327 : vector<1x16xf32> to vector<16xf32>
        %mul3A_329 = vector.broadcast %squeeze3A_313 : f32 to vector<16xf32>
        %mul3A_330 = arith.mulf %get3A_328, %mul3A_329 : vector<16xf32>
        %add3A_331 = arith.addf %add3A_311, %mul3A_330 : vector<16xf32>
        %slice3A_332 = vector.extract_strided_slice %select_n3A {offsets = [7], sizes = [1], strides = [1]} : vector<16xf32> to vector<1xf32>
        %squeeze3A_333 = vector.extract %slice3A_332[0] : f32 from vector<1xf32>
        %add3A_334 = arith.constant 7 : i32
        %add3A_335 = arith.addi %mul3A_168, %add3A_334 : i32
        %get3A_336 = arith.index_cast %add3A_335 : i32 to index
        %get3A_337 = arith.constant 0 : index
        %get3A_338 = tpu.vector_load %arg7[%get3A_336, %get3A_337] {strides = array<i32>} : memref<640x32xf32, #tpu.memory_space<vmem>>, vector<1x16xf32>,
        %get3A_339 = vector.shape_cast %get3A_338 : vector<1x16xf32> to vector<16xf32>
        %mul3A_340 = vector.broadcast %squeeze3A_333 : f32 to vector<16xf32>
        %mul3A_341 = arith.mulf %get3A_339, %mul3A_340 : vector<16xf32>
        %add3A_342 = arith.addf %add3A_322, %mul3A_341 : vector<16xf32>
        %add3A_343 = arith.constant 7 : i32
        %add3A_344 = arith.addi %mul3A_168, %add3A_343 : i32
        %get3A_345 = arith.index_cast %add3A_344 : i32 to index
        %get3A_346 = arith.constant 16 : index
        %get3A_347 = tpu.vector_load %arg7[%get3A_345, %get3A_346] {strides = array<i32>} : memref<640x32xf32, #tpu.memory_space<vmem>>, vector<1x16xf32>,
        %get3A_348 = vector.shape_cast %get3A_347 : vector<1x16xf32> to vector<16xf32>
        %mul3A_349 = vector.broadcast %squeeze3A_333 : f32 to vector<16xf32>
        %mul3A_350 = arith.mulf %get3A_348, %mul3A_349 : vector<16xf32>
        %add3A_351 = arith.addf %add3A_331, %mul3A_350 : vector<16xf32>
        %slice3A_352 = vector.extract_strided_slice %select_n3A {offsets = [8], sizes = [1], strides = [1]} : vector<16xf32> to vector<1xf32>
        %squeeze3A_353 = vector.extract %slice3A_352[0] : f32 from vector<1xf32>
        %add3A_354 = arith.constant 8 : i32
        %add3A_355 = arith.addi %mul3A_168, %add3A_354 : i32
        %get3A_356 = arith.index_cast %add3A_355 : i32 to index
        %get3A_357 = arith.constant 0 : index
        %get3A_358 = tpu.vector_load %arg7[%get3A_356, %get3A_357] {strides = array<i32>} : memref<640x32xf32, #tpu.memory_space<vmem>>, vector<1x16xf32>,
        %get3A_359 = vector.shape_cast %get3A_358 : vector<1x16xf32> to vector<16xf32>
        %mul3A_360 = vector.broadcast %squeeze3A_353 : f32 to vector<16xf32>
        %mul3A_361 = arith.mulf %get3A_359, %mul3A_360 : vector<16xf32>
        %add3A_362 = arith.addf %add3A_342, %mul3A_361 : vector<16xf32>
        %add3A_363 = arith.constant 8 : i32
        %add3A_364 = arith.addi %mul3A_168, %add3A_363 : i32
        %get3A_365 = arith.index_cast %add3A_364 : i32 to index
        %get3A_366 = arith.constant 16 : index
        %get3A_367 = tpu.vector_load %arg7[%get3A_365, %get3A_366] {strides = array<i32>} : memref<640x32xf32, #tpu.memory_space<vmem>>, vector<1x16xf32>,
        %get3A_368 = vector.shape_cast %get3A_367 : vector<1x16xf32> to vector<16xf32>
        %mul3A_369 = vector.broadcast %squeeze3A_353 : f32 to vector<16xf32>
        %mul3A_370 = arith.mulf %get3A_368, %mul3A_369 : vector<16xf32>
        %add3A_371 = arith.addf %add3A_351, %mul3A_370 : vector<16xf32>
        %slice3A_372 = vector.extract_strided_slice %select_n3A {offsets = [9], sizes = [1], strides = [1]} : vector<16xf32> to vector<1xf32>
        %squeeze3A_373 = vector.extract %slice3A_372[0] : f32 from vector<1xf32>
        %add3A_374 = arith.constant 9 : i32
        %add3A_375 = arith.addi %mul3A_168, %add3A_374 : i32
        %get3A_376 = arith.index_cast %add3A_375 : i32 to index
        %get3A_377 = arith.constant 0 : index
        %get3A_378 = tpu.vector_load %arg7[%get3A_376, %get3A_377] {strides = array<i32>} : memref<640x32xf32, #tpu.memory_space<vmem>>, vector<1x16xf32>,
        %get3A_379 = vector.shape_cast %get3A_378 : vector<1x16xf32> to vector<16xf32>
        %mul3A_380 = vector.broadcast %squeeze3A_373 : f32 to vector<16xf32>
        %mul3A_381 = arith.mulf %get3A_379, %mul3A_380 : vector<16xf32>
        %add3A_382 = arith.addf %add3A_362, %mul3A_381 : vector<16xf32>
        %add3A_383 = arith.constant 9 : i32
        %add3A_384 = arith.addi %mul3A_168, %add3A_383 : i32
        %get3A_385 = arith.index_cast %add3A_384 : i32 to index
        %get3A_386 = arith.constant 16 : index
        %get3A_387 = tpu.vector_load %arg7[%get3A_385, %get3A_386] {strides = array<i32>} : memref<640x32xf32, #tpu.memory_space<vmem>>, vector<1x16xf32>,
        %get3A_388 = vector.shape_cast %get3A_387 : vector<1x16xf32> to vector<16xf32>
        %mul3A_389 = vector.broadcast %squeeze3A_373 : f32 to vector<16xf32>
        %mul3A_390 = arith.mulf %get3A_388, %mul3A_389 : vector<16xf32>
        %add3A_391 = arith.addf %add3A_371, %mul3A_390 : vector<16xf32>
        %slice3A_392 = vector.extract_strided_slice %select_n3A {offsets = [10], sizes = [1], strides = [1]} : vector<16xf32> to vector<1xf32>
        %squeeze3A_393 = vector.extract %slice3A_392[0] : f32 from vector<1xf32>
        %add3A_394 = arith.constant 10 : i32
        %add3A_395 = arith.addi %mul3A_168, %add3A_394 : i32
        %get3A_396 = arith.index_cast %add3A_395 : i32 to index
        %get3A_397 = arith.constant 0 : index
        %get3A_398 = tpu.vector_load %arg7[%get3A_396, %get3A_397] {strides = array<i32>} : memref<640x32xf32, #tpu.memory_space<vmem>>, vector<1x16xf32>,
        %get3A_399 = vector.shape_cast %get3A_398 : vector<1x16xf32> to vector<16xf32>
        %mul3A_400 = vector.broadcast %squeeze3A_393 : f32 to vector<16xf32>
        %mul3A_401 = arith.mulf %get3A_399, %mul3A_400 : vector<16xf32>
        %add3A_402 = arith.addf %add3A_382, %mul3A_401 : vector<16xf32>
        %add3A_403 = arith.constant 10 : i32
        %add3A_404 = arith.addi %mul3A_168, %add3A_403 : i32
        %get3A_405 = arith.index_cast %add3A_404 : i32 to index
        %get3A_406 = arith.constant 16 : index
        %get3A_407 = tpu.vector_load %arg7[%get3A_405, %get3A_406] {strides = array<i32>} : memref<640x32xf32, #tpu.memory_space<vmem>>, vector<1x16xf32>,
        %get3A_408 = vector.shape_cast %get3A_407 : vector<1x16xf32> to vector<16xf32>
        %mul3A_409 = vector.broadcast %squeeze3A_393 : f32 to vector<16xf32>
        %mul3A_410 = arith.mulf %get3A_408, %mul3A_409 : vector<16xf32>
        %add3A_411 = arith.addf %add3A_391, %mul3A_410 : vector<16xf32>
        %slice3A_412 = vector.extract_strided_slice %select_n3A {offsets = [11], sizes = [1], strides = [1]} : vector<16xf32> to vector<1xf32>
        %squeeze3A_413 = vector.extract %slice3A_412[0] : f32 from vector<1xf32>
        %add3A_414 = arith.constant 11 : i32
        %add3A_415 = arith.addi %mul3A_168, %add3A_414 : i32
        %get3A_416 = arith.index_cast %add3A_415 : i32 to index
        %get3A_417 = arith.constant 0 : index
        %get3A_418 = tpu.vector_load %arg7[%get3A_416, %get3A_417] {strides = array<i32>} : memref<640x32xf32, #tpu.memory_space<vmem>>, vector<1x16xf32>,
        %get3A_419 = vector.shape_cast %get3A_418 : vector<1x16xf32> to vector<16xf32>
        %mul3A_420 = vector.broadcast %squeeze3A_413 : f32 to vector<16xf32>
        %mul3A_421 = arith.mulf %get3A_419, %mul3A_420 : vector<16xf32>
        %add3A_422 = arith.addf %add3A_402, %mul3A_421 : vector<16xf32>
        %add3A_423 = arith.constant 11 : i32
        %add3A_424 = arith.addi %mul3A_168, %add3A_423 : i32
        %get3A_425 = arith.index_cast %add3A_424 : i32 to index
        %get3A_426 = arith.constant 16 : index
        %get3A_427 = tpu.vector_load %arg7[%get3A_425, %get3A_426] {strides = array<i32>} : memref<640x32xf32, #tpu.memory_space<vmem>>, vector<1x16xf32>,
        %get3A_428 = vector.shape_cast %get3A_427 : vector<1x16xf32> to vector<16xf32>
        %mul3A_429 = vector.broadcast %squeeze3A_413 : f32 to vector<16xf32>
        %mul3A_430 = arith.mulf %get3A_428, %mul3A_429 : vector<16xf32>
        %add3A_431 = arith.addf %add3A_411, %mul3A_430 : vector<16xf32>
        %slice3A_432 = vector.extract_strided_slice %select_n3A {offsets = [12], sizes = [1], strides = [1]} : vector<16xf32> to vector<1xf32>
        %squeeze3A_433 = vector.extract %slice3A_432[0] : f32 from vector<1xf32>
        %add3A_434 = arith.constant 12 : i32
        %add3A_435 = arith.addi %mul3A_168, %add3A_434 : i32
        %get3A_436 = arith.index_cast %add3A_435 : i32 to index
        %get3A_437 = arith.constant 0 : index
        %get3A_438 = tpu.vector_load %arg7[%get3A_436, %get3A_437] {strides = array<i32>} : memref<640x32xf32, #tpu.memory_space<vmem>>, vector<1x16xf32>,
        %get3A_439 = vector.shape_cast %get3A_438 : vector<1x16xf32> to vector<16xf32>
        %mul3A_440 = vector.broadcast %squeeze3A_433 : f32 to vector<16xf32>
        %mul3A_441 = arith.mulf %get3A_439, %mul3A_440 : vector<16xf32>
        %add3A_442 = arith.addf %add3A_422, %mul3A_441 : vector<16xf32>
        %add3A_443 = arith.constant 12 : i32
        %add3A_444 = arith.addi %mul3A_168, %add3A_443 : i32
        %get3A_445 = arith.index_cast %add3A_444 : i32 to index
        %get3A_446 = arith.constant 16 : index
        %get3A_447 = tpu.vector_load %arg7[%get3A_445, %get3A_446] {strides = array<i32>} : memref<640x32xf32, #tpu.memory_space<vmem>>, vector<1x16xf32>,
        %get3A_448 = vector.shape_cast %get3A_447 : vector<1x16xf32> to vector<16xf32>
        %mul3A_449 = vector.broadcast %squeeze3A_433 : f32 to vector<16xf32>
        %mul3A_450 = arith.mulf %get3A_448, %mul3A_449 : vector<16xf32>
        %add3A_451 = arith.addf %add3A_431, %mul3A_450 : vector<16xf32>
        %slice3A_452 = vector.extract_strided_slice %select_n3A {offsets = [13], sizes = [1], strides = [1]} : vector<16xf32> to vector<1xf32>
        %squeeze3A_453 = vector.extract %slice3A_452[0] : f32 from vector<1xf32>
        %add3A_454 = arith.constant 13 : i32
        %add3A_455 = arith.addi %mul3A_168, %add3A_454 : i32
        %get3A_456 = arith.index_cast %add3A_455 : i32 to index
        %get3A_457 = arith.constant 0 : index
        %get3A_458 = tpu.vector_load %arg7[%get3A_456, %get3A_457] {strides = array<i32>} : memref<640x32xf32, #tpu.memory_space<vmem>>, vector<1x16xf32>,
        %get3A_459 = vector.shape_cast %get3A_458 : vector<1x16xf32> to vector<16xf32>
        %mul3A_460 = vector.broadcast %squeeze3A_453 : f32 to vector<16xf32>
        %mul3A_461 = arith.mulf %get3A_459, %mul3A_460 : vector<16xf32>
        %add3A_462 = arith.addf %add3A_442, %mul3A_461 : vector<16xf32>
        %add3A_463 = arith.constant 13 : i32
        %add3A_464 = arith.addi %mul3A_168, %add3A_463 : i32
        %get3A_465 = arith.index_cast %add3A_464 : i32 to index
        %get3A_466 = arith.constant 16 : index
        %get3A_467 = tpu.vector_load %arg7[%get3A_465, %get3A_466] {strides = array<i32>} : memref<640x32xf32, #tpu.memory_space<vmem>>, vector<1x16xf32>,
        %get3A_468 = vector.shape_cast %get3A_467 : vector<1x16xf32> to vector<16xf32>
        %mul3A_469 = vector.broadcast %squeeze3A_453 : f32 to vector<16xf32>
        %mul3A_470 = arith.mulf %get3A_468, %mul3A_469 : vector<16xf32>
        %add3A_471 = arith.addf %add3A_451, %mul3A_470 : vector<16xf32>
        %slice3A_472 = vector.extract_strided_slice %select_n3A {offsets = [14], sizes = [1], strides = [1]} : vector<16xf32> to vector<1xf32>
        %squeeze3A_473 = vector.extract %slice3A_472[0] : f32 from vector<1xf32>
        %add3A_474 = arith.constant 14 : i32
        %add3A_475 = arith.addi %mul3A_168, %add3A_474 : i32
        %get3A_476 = arith.index_cast %add3A_475 : i32 to index
        %get3A_477 = arith.constant 0 : index
        %get3A_478 = tpu.vector_load %arg7[%get3A_476, %get3A_477] {strides = array<i32>} : memref<640x32xf32, #tpu.memory_space<vmem>>, vector<1x16xf32>,
        %get3A_479 = vector.shape_cast %get3A_478 : vector<1x16xf32> to vector<16xf32>
        %mul3A_480 = vector.broadcast %squeeze3A_473 : f32 to vector<16xf32>
        %mul3A_481 = arith.mulf %get3A_479, %mul3A_480 : vector<16xf32>
        %add3A_482 = arith.addf %add3A_462, %mul3A_481 : vector<16xf32>
        %add3A_483 = arith.constant 14 : i32
        %add3A_484 = arith.addi %mul3A_168, %add3A_483 : i32
        %get3A_485 = arith.index_cast %add3A_484 : i32 to index
        %get3A_486 = arith.constant 16 : index
        %get3A_487 = tpu.vector_load %arg7[%get3A_485, %get3A_486] {strides = array<i32>} : memref<640x32xf32, #tpu.memory_space<vmem>>, vector<1x16xf32>,
        %get3A_488 = vector.shape_cast %get3A_487 : vector<1x16xf32> to vector<16xf32>
        %mul3A_489 = vector.broadcast %squeeze3A_473 : f32 to vector<16xf32>
        %mul3A_490 = arith.mulf %get3A_488, %mul3A_489 : vector<16xf32>
        %add3A_491 = arith.addf %add3A_471, %mul3A_490 : vector<16xf32>
        %slice3A_492 = vector.extract_strided_slice %select_n3A {offsets = [15], sizes = [1], strides = [1]} : vector<16xf32> to vector<1xf32>
        %squeeze3A_493 = vector.extract %slice3A_492[0] : f32 from vector<1xf32>
        %add3A_494 = arith.constant 15 : i32
        %add3A_495 = arith.addi %mul3A_168, %add3A_494 : i32
        %get3A_496 = arith.index_cast %add3A_495 : i32 to index
        %get3A_497 = arith.constant 0 : index
        %get3A_498 = tpu.vector_load %arg7[%get3A_496, %get3A_497] {strides = array<i32>} : memref<640x32xf32, #tpu.memory_space<vmem>>, vector<1x16xf32>,
        %get3A_499 = vector.shape_cast %get3A_498 : vector<1x16xf32> to vector<16xf32>
        %mul3A_500 = vector.broadcast %squeeze3A_493 : f32 to vector<16xf32>
        %mul3A_501 = arith.mulf %get3A_499, %mul3A_500 : vector<16xf32>
        %add3A_502 = arith.addf %add3A_482, %mul3A_501 : vector<16xf32>
        %add3A_503 = arith.constant 15 : i32
        %add3A_504 = arith.addi %mul3A_168, %add3A_503 : i32
        %get3A_505 = arith.index_cast %add3A_504 : i32 to index
        %get3A_506 = arith.constant 16 : index
        %get3A_507 = tpu.vector_load %arg7[%get3A_505, %get3A_506] {strides = array<i32>} : memref<640x32xf32, #tpu.memory_space<vmem>>, vector<1x16xf32>,
        %get3A_508 = vector.shape_cast %get3A_507 : vector<1x16xf32> to vector<16xf32>
        %mul3A_509 = vector.broadcast %squeeze3A_493 : f32 to vector<16xf32>
        %mul3A_510 = arith.mulf %get3A_508, %mul3A_509 : vector<16xf32>
        %add3A_511 = arith.addf %add3A_491, %mul3A_510 : vector<16xf32>
        %slice3A_512 = vector.extract_strided_slice %select_n3A_189 {offsets = [0], sizes = [1], strides = [1]} : vector<16xf32> to vector<1xf32>
        %squeeze3A_513 = vector.extract %slice3A_512[0] : f32 from vector<1xf32>
        %add3A_514 = arith.constant 16 : i32
        %add3A_515 = arith.addi %mul3A_168, %add3A_514 : i32
        %get3A_516 = arith.index_cast %add3A_515 : i32 to index
        %get3A_517 = arith.constant 0 : index
        %get3A_518 = tpu.vector_load %arg7[%get3A_516, %get3A_517] {strides = array<i32>} : memref<640x32xf32, #tpu.memory_space<vmem>>, vector<1x16xf32>,
        %get3A_519 = vector.shape_cast %get3A_518 : vector<1x16xf32> to vector<16xf32>
        %mul3A_520 = vector.broadcast %squeeze3A_513 : f32 to vector<16xf32>
        %mul3A_521 = arith.mulf %get3A_519, %mul3A_520 : vector<16xf32>
        %add3A_522 = arith.addf %add3A_502, %mul3A_521 : vector<16xf32>
        %add3A_523 = arith.constant 16 : i32
        %add3A_524 = arith.addi %mul3A_168, %add3A_523 : i32
        %get3A_525 = arith.index_cast %add3A_524 : i32 to index
        %get3A_526 = arith.constant 16 : index
        %get3A_527 = tpu.vector_load %arg7[%get3A_525, %get3A_526] {strides = array<i32>} : memref<640x32xf32, #tpu.memory_space<vmem>>, vector<1x16xf32>,
        %get3A_528 = vector.shape_cast %get3A_527 : vector<1x16xf32> to vector<16xf32>
        %mul3A_529 = vector.broadcast %squeeze3A_513 : f32 to vector<16xf32>
        %mul3A_530 = arith.mulf %get3A_528, %mul3A_529 : vector<16xf32>
        %add3A_531 = arith.addf %add3A_511, %mul3A_530 : vector<16xf32>
        %slice3A_532 = vector.extract_strided_slice %select_n3A_189 {offsets = [1], sizes = [1], strides = [1]} : vector<16xf32> to vector<1xf32>
        %squeeze3A_533 = vector.extract %slice3A_532[0] : f32 from vector<1xf32>
        %add3A_534 = arith.constant 17 : i32
        %add3A_535 = arith.addi %mul3A_168, %add3A_534 : i32
        %get3A_536 = arith.index_cast %add3A_535 : i32 to index
        %get3A_537 = arith.constant 0 : index
        %get3A_538 = tpu.vector_load %arg7[%get3A_536, %get3A_537] {strides = array<i32>} : memref<640x32xf32, #tpu.memory_space<vmem>>, vector<1x16xf32>,
        %get3A_539 = vector.shape_cast %get3A_538 : vector<1x16xf32> to vector<16xf32>
        %mul3A_540 = vector.broadcast %squeeze3A_533 : f32 to vector<16xf32>
        %mul3A_541 = arith.mulf %get3A_539, %mul3A_540 : vector<16xf32>
        %add3A_542 = arith.addf %add3A_522, %mul3A_541 : vector<16xf32>
        %add3A_543 = arith.constant 17 : i32
        %add3A_544 = arith.addi %mul3A_168, %add3A_543 : i32
        %get3A_545 = arith.index_cast %add3A_544 : i32 to index
        %get3A_546 = arith.constant 16 : index
        %get3A_547 = tpu.vector_load %arg7[%get3A_545, %get3A_546] {strides = array<i32>} : memref<640x32xf32, #tpu.memory_space<vmem>>, vector<1x16xf32>,
        %get3A_548 = vector.shape_cast %get3A_547 : vector<1x16xf32> to vector<16xf32>
        %mul3A_549 = vector.broadcast %squeeze3A_533 : f32 to vector<16xf32>
        %mul3A_550 = arith.mulf %get3A_548, %mul3A_549 : vector<16xf32>
        %add3A_551 = arith.addf %add3A_531, %mul3A_550 : vector<16xf32>
        %slice3A_552 = vector.extract_strided_slice %select_n3A_189 {offsets = [2], sizes = [1], strides = [1]} : vector<16xf32> to vector<1xf32>
        %squeeze3A_553 = vector.extract %slice3A_552[0] : f32 from vector<1xf32>
        %add3A_554 = arith.constant 18 : i32
        %add3A_555 = arith.addi %mul3A_168, %add3A_554 : i32
        %get3A_556 = arith.index_cast %add3A_555 : i32 to index
        %get3A_557 = arith.constant 0 : index
        %get3A_558 = tpu.vector_load %arg7[%get3A_556, %get3A_557] {strides = array<i32>} : memref<640x32xf32, #tpu.memory_space<vmem>>, vector<1x16xf32>,
        %get3A_559 = vector.shape_cast %get3A_558 : vector<1x16xf32> to vector<16xf32>
        %mul3A_560 = vector.broadcast %squeeze3A_553 : f32 to vector<16xf32>
        %mul3A_561 = arith.mulf %get3A_559, %mul3A_560 : vector<16xf32>
        %add3A_562 = arith.addf %add3A_542, %mul3A_561 : vector<16xf32>
        %add3A_563 = arith.constant 18 : i32
        %add3A_564 = arith.addi %mul3A_168, %add3A_563 : i32
        %get3A_565 = arith.index_cast %add3A_564 : i32 to index
        %get3A_566 = arith.constant 16 : index
        %get3A_567 = tpu.vector_load %arg7[%get3A_565, %get3A_566] {strides = array<i32>} : memref<640x32xf32, #tpu.memory_space<vmem>>, vector<1x16xf32>,
        %get3A_568 = vector.shape_cast %get3A_567 : vector<1x16xf32> to vector<16xf32>
        %mul3A_569 = vector.broadcast %squeeze3A_553 : f32 to vector<16xf32>
        %mul3A_570 = arith.mulf %get3A_568, %mul3A_569 : vector<16xf32>
        %add3A_571 = arith.addf %add3A_551, %mul3A_570 : vector<16xf32>
        %slice3A_572 = vector.extract_strided_slice %select_n3A_189 {offsets = [3], sizes = [1], strides = [1]} : vector<16xf32> to vector<1xf32>
        %squeeze3A_573 = vector.extract %slice3A_572[0] : f32 from vector<1xf32>
        %add3A_574 = arith.constant 19 : i32
        %add3A_575 = arith.addi %mul3A_168, %add3A_574 : i32
        %get3A_576 = arith.index_cast %add3A_575 : i32 to index
        %get3A_577 = arith.constant 0 : index
        %get3A_578 = tpu.vector_load %arg7[%get3A_576, %get3A_577] {strides = array<i32>} : memref<640x32xf32, #tpu.memory_space<vmem>>, vector<1x16xf32>,
        %get3A_579 = vector.shape_cast %get3A_578 : vector<1x16xf32> to vector<16xf32>
        %mul3A_580 = vector.broadcast %squeeze3A_573 : f32 to vector<16xf32>
        %mul3A_581 = arith.mulf %get3A_579, %mul3A_580 : vector<16xf32>
        %add3A_582 = arith.addf %add3A_562, %mul3A_581 : vector<16xf32>
        %add3A_583 = arith.constant 19 : i32
        %add3A_584 = arith.addi %mul3A_168, %add3A_583 : i32
        %get3A_585 = arith.index_cast %add3A_584 : i32 to index
        %get3A_586 = arith.constant 16 : index
        %get3A_587 = tpu.vector_load %arg7[%get3A_585, %get3A_586] {strides = array<i32>} : memref<640x32xf32, #tpu.memory_space<vmem>>, vector<1x16xf32>,
        %get3A_588 = vector.shape_cast %get3A_587 : vector<1x16xf32> to vector<16xf32>
        %mul3A_589 = vector.broadcast %squeeze3A_573 : f32 to vector<16xf32>
        %mul3A_590 = arith.mulf %get3A_588, %mul3A_589 : vector<16xf32>
        %add3A_591 = arith.addf %add3A_571, %mul3A_590 : vector<16xf32>
        %mul3A_592 = arith.constant 32 : i32
        %mul3A_593 = arith.muli %scan3A_166, %mul3A_592 : i32
        %swap3A = arith.index_cast %mul3A_593 : i32 to index
        %swap3A_594 = tpu.vector_load %arg9[%swap3A] {strides = array<i32>} : memref<1024xf32, #tpu.memory_space<vmem>>, vector<16xf32>,
        %swap3A_595 = vector.shape_cast %swap3A_594 : vector<16xf32> to vector<16xf32>
        %swap3A_596 = vector.shape_cast %add3A_582 : vector<16xf32> to vector<16xf32>
        tpu.vector_store %arg9[%swap3A], %swap3A_596 {strides = array<i32>} : memref<1024xf32, #tpu.memory_space<vmem>>, vector<16xf32>,
        %mul3A_597 = arith.constant 32 : i32
        %mul3A_598 = arith.muli %scan3A_166, %mul3A_597 : i32
        %add3A_599 = arith.constant 16 : i32
        %add3A_600 = arith.addi %mul3A_598, %add3A_599 : i32
        %swap3A_601 = arith.index_cast %add3A_600 : i32 to index
        %swap3A_602 = tpu.vector_load %arg9[%swap3A_601] {strides = array<i32>} : memref<1024xf32, #tpu.memory_space<vmem>>, vector<16xf32>,
        %swap3A_603 = vector.shape_cast %swap3A_602 : vector<16xf32> to vector<16xf32>
        %swap3A_604 = vector.shape_cast %add3A_591 : vector<16xf32> to vector<16xf32>
        tpu.vector_store %arg9[%swap3A_601], %swap3A_604 {strides = array<i32>} : memref<1024xf32, #tpu.memory_space<vmem>>, vector<16xf32>,
      }
      %scan3A_158 = arith.constant 32 : i32
      %mul3A_159 = arith.constant 106496 : i32
      %mul3A_160 = arith.muli %add3A, %mul3A_159 : i32
      %mul3A_161 = arith.constant 1024 : i32
      %mul3A_162 = arith.muli %add3A_57, %mul3A_161 : i32
      %add3A_163 = arith.addi %mul3A_160, %mul3A_162 : i32
      %dma_start3A_164 = tpu.memref_slice %arg4[%add3A_163] : memref<3407872xf32, #tpu.memory_space<hbm>> -> memref<1024xf32, #tpu.memory_space<hbm>>
      %dma_start3A_165 = tpu.memref_slice %arg4[%add3A_163] : memref<3407872xf32, #tpu.memory_space<hbm>> -> memref<1024xf32, #tpu.memory_space<hbm>>
      tpu.enqueue_dma source(%arg9 : memref<1024xf32, #tpu.memory_space<vmem>>) target(%dma_start3A_165 : memref<1024xf32, #tpu.memory_space<hbm>>) target_semaphore(%arg13 : memref<!tpu.dma_semaphore, #tpu.memory_space<semaphore_mem>>)
    }
    %scan3A_45 = arith.constant 52 : i32
    %dma_wait3A = arith.constant 0 : i32
    %dma_wait3A_46 = tpu.memref_slice %arg4[%dma_wait3A] : memref<3407872xf32, #tpu.memory_space<hbm>> -> memref<1024xf32, #tpu.memory_space<hbm>>
    %dma_wait3A_47 = arith.constant 0 : i32
    %dma_wait3A_48 = tpu.memref_slice %arg4[%dma_wait3A_47] : memref<3407872xf32, #tpu.memory_space<hbm>> -> memref<1024xf32, #tpu.memory_space<hbm>>
    tpu.wait_dma2 semaphore(%arg12 : memref<!tpu.dma_semaphore, #tpu.memory_space<semaphore_mem>>) src(%arg8 : memref<1024xf32, #tpu.memory_space<vmem>>) dst(%dma_wait3A_48 : memref<1024xf32, #tpu.memory_space<hbm>>)
    %dma_wait3A_49 = arith.constant 0 : i32
    %dma_wait3A_50 = tpu.memref_slice %arg4[%dma_wait3A_49] : memref<3407872xf32, #tpu.memory_space<hbm>> -> memref<1024xf32, #tpu.memory_space<hbm>>
    %dma_wait3A_51 = arith.constant 0 : i32
    %dma_wait3A_52 = tpu.memref_slice %arg4[%dma_wait3A_51] : memref<3407872xf32, #tpu.memory_space<hbm>> -> memref<1024xf32, #tpu.memory_space<hbm>>
    tpu.wait_dma2 semaphore(%arg13 : memref<!tpu.dma_semaphore, #tpu.memory_space<semaphore_mem>>) src(%arg9 : memref<1024xf32, #tpu.memory_space<vmem>>) dst(%dma_wait3A_52 : memref<1024xf32, #tpu.memory_space<hbm>>)
    return
  }
}

module attributes {stable_mosaic.version = 14 : i64} {
  func.func @body(%arg0: i32, %arg1: memref<32x16384xf32, #tpu.memory_space<vmem>>, %arg2: memref<4096x128xf32, #tpu.memory_space<vmem>>) attributes {dimension_semantics = [#tpu.dimension_semantics<arbitrary>], iteration_bounds = array<i64: 62>, scalar_prefetch = 0 : i64, scratch_operands = 0 : i64, tpu.core_type = #tpu.core_type<tc>, window_params = [{transform_indices = @transform_0, window_bounds = array<i64: 32, 16384>}, {transform_indices = @transform_1, window_bounds = array<i64: 4096, 128>}]} {
    %get3A = arith.constant 0 : index
    %get3A_0 = arith.constant 0 : index
    %get3A_1 = vector.load %arg1[%get3A, %get3A_0] : memref<32x16384xf32, #tpu.memory_space<vmem>>, vector<32x16384xf32>
    %transpose3A = tpu.transpose %get3A_1, [1, 0] : vector<32x16384xf32> -> vector<16384x32xf32>
    %reshape3A = vector.shape_cast %transpose3A : vector<16384x32xf32> to vector<4096x4x32xf32>
    %slice3A = vector.extract_strided_slice %reshape3A {offsets = [0, 0, 0], sizes = [4096, 1, 32], strides = [1, 1, 1]} : vector<4096x4x32xf32> to vector<4096x1x32xf32>
    %squeeze3A = vector.shape_cast %slice3A : vector<4096x1x32xf32> to vector<4096x32xf32>
    %swap3A = arith.constant 0 : index
    %swap3A_2 = arith.constant 0 : index
    %swap3A_3 = vector.load %arg2[%swap3A, %swap3A_2] : memref<4096x128xf32, #tpu.memory_space<vmem>>, vector<4096x32xf32>
    tpu.vector_store %arg2[%swap3A, %swap3A_2], %squeeze3A {strides = array<i32>} : memref<4096x128xf32, #tpu.memory_space<vmem>>, vector<4096x32xf32>,
    %slice3A_4 = vector.extract_strided_slice %reshape3A {offsets = [0, 1, 0], sizes = [4096, 1, 32], strides = [1, 1, 1]} : vector<4096x4x32xf32> to vector<4096x1x32xf32>
    %squeeze3A_5 = vector.shape_cast %slice3A_4 : vector<4096x1x32xf32> to vector<4096x32xf32>
    %swap3A_6 = arith.constant 0 : index
    %swap3A_7 = arith.constant 32 : index
    %swap3A_8 = vector.load %arg2[%swap3A_6, %swap3A_7] : memref<4096x128xf32, #tpu.memory_space<vmem>>, vector<4096x32xf32>
    tpu.vector_store %arg2[%swap3A_6, %swap3A_7], %squeeze3A_5 {strides = array<i32>} : memref<4096x128xf32, #tpu.memory_space<vmem>>, vector<4096x32xf32>,
    %slice3A_9 = vector.extract_strided_slice %reshape3A {offsets = [0, 2, 0], sizes = [4096, 1, 32], strides = [1, 1, 1]} : vector<4096x4x32xf32> to vector<4096x1x32xf32>
    %squeeze3A_10 = vector.shape_cast %slice3A_9 : vector<4096x1x32xf32> to vector<4096x32xf32>
    %swap3A_11 = arith.constant 0 : index
    %swap3A_12 = arith.constant 64 : index
    %swap3A_13 = vector.load %arg2[%swap3A_11, %swap3A_12] : memref<4096x128xf32, #tpu.memory_space<vmem>>, vector<4096x32xf32>
    tpu.vector_store %arg2[%swap3A_11, %swap3A_12], %squeeze3A_10 {strides = array<i32>} : memref<4096x128xf32, #tpu.memory_space<vmem>>, vector<4096x32xf32>,
    %slice3A_14 = vector.extract_strided_slice %reshape3A {offsets = [0, 3, 0], sizes = [4096, 1, 32], strides = [1, 1, 1]} : vector<4096x4x32xf32> to vector<4096x1x32xf32>
    %squeeze3A_15 = vector.shape_cast %slice3A_14 : vector<4096x1x32xf32> to vector<4096x32xf32>
    %swap3A_16 = arith.constant 0 : index
    %swap3A_17 = arith.constant 96 : index
    %swap3A_18 = vector.load %arg2[%swap3A_16, %swap3A_17] : memref<4096x128xf32, #tpu.memory_space<vmem>>, vector<4096x32xf32>
    tpu.vector_store %arg2[%swap3A_16, %swap3A_17], %squeeze3A_15 {strides = array<i32>} : memref<4096x128xf32, #tpu.memory_space<vmem>>, vector<4096x32xf32>,
    return
  }
  func.func @transform_0(%arg0: i32) -> (i32, i32) {
    %c0_i32 = arith.constant 0 : i32
    %c0_i32_0 = arith.constant 0 : i32
    return %c0_i32, %arg0 : i32, i32
  }
  func.func @transform_1(%arg0: i32) -> (i32, i32) {
    %c0_i32 = arith.constant 0 : i32
    %c0_i32_0 = arith.constant 0 : i32
    return %arg0, %c0_i32 : i32, i32
  }
}

</mosaic_0001>

<sc_bundles>
// kernel: kernel.4.cloned.1.call-start
scs
__scs_entry_jumppad:
0x0: {  	(pc) =	sbr.rel $0x88, $3  }
0x1: {  	(tag) =	ssettag $0x0;
	lr =	simm.s32 $0x1  }
0x2: {  	[smem:$0x3F9F] =	sst lr;
	_ =	strace $0xD0000000  }
0x3: {  	_ = 	snop  }
0x4: {  	_ = 	snop  }
0x5: {  	_ = 	snop  }
0x6: {  	_ = 	snop  }
0x7: {  	_ = 	snop  }
__scs_overlays_trampoline_lowered:
0x8: {  	[smem:$0x3FAE] =	sst s0  }
0x9: {  	[smem:$0x3FAF] =	sst s1  }
0xa: {  	[smem:$0x3FB0] =	sst s2  }
0xb: {  	[smem:$0x3FB1] =	sst s3  }
0xc: {  	[smem:$0x3FB2] =	sst s4  }
0xd: {  	[smem:$0x3FB3] =	sst s5  }
0xe: {  	[smem:$0x3FB4] =	sst s6  }
0xf: {  	[smem:$0x3FB5] =	sst s7  }
0x10: {  	[smem:$0x3FB6] =	sst s8  }
0x11: {  	[smem:$0x3FB7] =	sst s9;
	s0 =	simm.s32 @!p0 $0x0  }
0x12: {  	s1 =	sld [smem:$0x3F9D];
	s0 =	simm.s32 @p0 $0x1  }
0x13: {  	[smem:$0x3FB8] =	sst s0;
	s0 =	simm.s32 @!p1 $0x0  }
0x14: {  	s2 =	sld [smem:$0x3F9C];
	s0 =	simm.s32 @p1 $0x1  }
0x15: {  	[smem:$0x3FB9] =	sst s0;
	s0 =	simm.s32 @!p2 $0x0  }
0x16: {  	s3 =	sld [smem:$0x3FDB];
	s0 =	simm.s32 @p2 $0x1  }
0x17: {  	s4 =	simm.s32 $0x1BF5;
	[smem:$0x3FBB] =	sst s0  }
0x18: {  	s0 =	sld [smem:$0x3F9E];
	_ =	swait.ge [sflag:s4], $0x0  }
0x19: {  	s7 =	sld [smem:$0x3F9F]  }
0x1a: {  	s8 =	sadd.s32 $0xFFFFE003, lr  }
0x1b: {  	s9 =	sadd.s32 $0xFFFFFEF7, lr;
	s5 =	simm.s32 $0xFFFFFFFF;
	p2 =	slt.u32 s8, $0xFFFFF086  }
0x1c: {  	p1 =	slt.u32 s9, $0xF7A;
	s5 =	simm.s32 @!p2 $0x0  }
0x1d: {  	s5 =	simm.s32 @p1 $0x1;
	p0 =	seq.s32 s7, s2  }
0x1e: {  	s7 =	smul.u32 @!p0 $0xF7A, s2;
	p2 =	seq.s32 @!p0 s5, $0x0  }
0x1f: {  	s9 =	smul.u32 $0xF7A, s1;
	s8 =	simm.s32 @!p0 $0x1BF5;
	p2 =	por !p2, p0  }
0x20: {  	[sflag:s8] =	ssyncset.s32 @!p0 $0xFFFFF086;
	s6 =	sadd.s32 @!p0 s3, s7;
	s7 =	simm.s32 @!p0 $0x108  }
0x21: {  	s3 =	sadd.s32 s3, s9;
	s6 =	sadd.s32 @!p0 $0x88, s6;
	s7 =	simm.s32 @p2 $0x1082  }
0x22: {  	[simem:s7], [sflag:s8] =	dma.local @!p0 [hbm:s6], $0xF7A  }
0x23: {  	s9 =	sor.u32 $0xD0000000, s2;
	s6 =	simm.s32 $0x108;
	_ =	swait.ge @!p0 [sflag:s8], $0x0  }
0x24: {  	s3 =	sadd.s32 $0x88, s3;
	s6 =	simm.s32 @!p1 $0x1082;
	[sflag:s4] =	ssyncset.s32 $0xFFFFF086  }
0x25: {  	[simem:s6], [sflag:s4] =	dma.local [hbm:s3], $0xF7A  }
0x26: {  	[smem:$0x3F9F] =	sst s1;
	(tag) =	ssettag s2;
	_ =	strace s9  }
0x27: {  	s1 =	sld [smem:$0x3FAF]  }
0x28: {  	s2 =	sld [smem:$0x3FB0]  }
0x29: {  	s4 =	sld [smem:$0x3FB2]  }
0x2a: {  	p0 =	seq.s32 s5, $0x0;
	s5 =	sld [smem:$0x3FB3]  }
0x2b: {  	s6 =	sld [smem:$0x3FB4]  }
0x2c: {  	s7 =	sld [smem:$0x3FB5]  }
0x2d: {  	s3 =	simm.s32 $0x108;
	s8 =	sld [smem:$0x3FB6]  }
0x2e: {  	s3 =	simm.s32 @!p0 $0x1082;
	s9 =	sld [smem:$0x3FB7]  }
0x2f: {  	lr =	sadd.s32 s0, s3;
	s0 =	sld [smem:$0x3FAE]  }
0x30: {  	s3 =	sld [smem:$0x3FB1]  }
0x31: {  	[smem:$0x3FBA] =	sst s10  }
0x32: {  	s10 =	sld [smem:$0x3FB8];
	_ =	sdelay $0x3  }
0x33: {  	p0 =	seq.s32 s10, $0x1;
	s10 =	sld [smem:$0x3FBA];
	_ =	sdelay $0x3  }
0x34: {  	[smem:$0x3FBA] =	sst s10  }
0x35: {  	s10 =	sld [smem:$0x3FB9];
	_ =	sdelay $0x3  }
0x36: {  	p1 =	seq.s32 s10, $0x1;
	s10 =	sld [smem:$0x3FBA];
	_ =	sdelay $0x3  }
0x37: {  	[smem:$0x3FBA] =	sst s10  }
0x38: {  	s10 =	sld [smem:$0x3FBB]  }
0x39: {  	_ = 	snop;
	(pc) =	sbr.ind lr, $3  }
0x3a: {  	_ = 	snop  }
0x3b: {  	_ = 	snop  }
0x3c: {  	p2 =	seq.s32 s10, $0x1;
	s10 =	sld [smem:$0x3FBA]  }
0x3d: {  	_ =	shalt  }
0x3e: {  	_ =	shalt  }
0x3f: {  	_ =	shalt  }
0x40: {  	_ =	shalt  }
0x41: {  	_ =	shalt  }
0x42: {  	_ =	shalt  }
0x43: {  	_ =	shalt  }
0x44: {  	_ =	shalt  }
0x45: {  	_ =	shalt  }
0x46: {  	_ =	shalt  }
0x47: {  	_ =	shalt  }
0x48: {  	_ =	shalt  }
0x49: {  	_ =	shalt  }
0x4a: {  	_ =	shalt  }
0x4b: {  	_ =	shalt  }
0x4c: {  	_ =	shalt  }
0x4d: {  	_ =	shalt  }
0x4e: {  	_ =	shalt  }
0x4f: {  	_ =	shalt  }
0x50: {  	_ =	shalt  }
0x51: {  	_ =	shalt  }
0x52: {  	_ =	shalt  }
0x53: {  	_ =	shalt  }
0x54: {  	_ =	shalt  }
0x55: {  	_ =	shalt  }
0x56: {  	_ =	shalt  }
0x57: {  	_ =	shalt  }
0x58: {  	_ =	shalt  }
0x59: {  	_ =	shalt  }
0x5a: {  	_ =	shalt  }
0x5b: {  	_ =	shalt  }
0x5c: {  	_ =	shalt  }
0x5d: {  	_ =	shalt  }
0x5e: {  	_ =	shalt  }
0x5f: {  	_ =	shalt  }
0x60: {  	_ =	shalt  }
0x61: {  	_ =	shalt  }
0x62: {  	_ =	shalt  }
0x63: {  	_ =	shalt  }
0x64: {  	_ =	shalt  }
0x65: {  	_ =	shalt  }
0x66: {  	_ =	shalt  }
0x67: {  	_ =	shalt  }
0x68: {  	_ =	shalt  }
0x69: {  	_ =	shalt  }
0x6a: {  	_ =	shalt  }
0x6b: {  	_ =	shalt  }
0x6c: {  	_ =	shalt  }
0x6d: {  	_ =	shalt  }
0x6e: {  	_ =	shalt  }
0x6f: {  	_ =	shalt  }
0x70: {  	_ =	shalt  }
0x71: {  	_ =	shalt  }
0x72: {  	_ =	shalt  }
0x73: {  	_ =	shalt  }
0x74: {  	_ =	shalt  }
0x75: {  	_ =	shalt  }
0x76: {  	_ =	shalt  }
0x77: {  	_ =	shalt  }
0x78: {  	_ =	shalt  }
0x79: {  	_ =	shalt  }
0x7a: {  	_ =	shalt  }
0x7b: {  	_ =	shalt  }
0x7c: {  	_ =	shalt  }
0x7d: {  	_ =	shalt  }
0x7e: {  	_ =	shalt  }
0x7f: {  	_ =	shalt  }
0x80: {  	_ =	shalt  }
0x81: {  	_ =	shalt  }
0x82: {  	_ =	shalt  }
0x83: {  	_ =	shalt  }
0x84: {  	_ =	shalt  }
0x85: {  	_ =	shalt  }
0x86: {  	_ =	shalt  }
0x87: {  	_ =	shalt  }
.Lfunc_end0:
.L_simem_size_0:
called_computation_lowered:
.L_overlay_start_0:
0x88: {  	s2 =	sld [smem:$0x3FD9]  }
0x89: {  	s3 =	sld [smem:$0x3FFE];
	_ =	sdelay $0x1  }
0x8a: {  	s1 =	srdreg.scid  }
0x8b: {  	s0 =	sand.u32 $0x1, s1  }
0x8c: {  	s17 =	sshll.u32 s0, $0xA;
	s2 =	sadd.s32 s3, s2  }
0x8d: {  	s2 =	sadd.s32 s2, s17  }
0x8e: {  	[smem:$0x3FC6] =	sst s2  }
0x8f: {  	_ = 	snop  }
0x90: {  	s2 =	sld [smem:$0x3FD0];
	(tm) =	ssettm $0x1  }
0x91: {  	s18 =	sld [smem:$0x3FFB];
	_ =	sdelay $0x3  }
0x92: {  	_ =	strace s18  }
0x93: {  	s3 =	sld [smem:$0x3FFC];
	_ =	sdelay $0x3  }
0x94: {  	_ =	strace s3  }
0x95: {  	s3 =	sld [smem:$0x3FFD];
	_ =	sdelay $0x3  }
0x96: {  	_ =	strace s3  }
0x97: {  	_ =	strace $0x8FFFFFFF  }
0x98: {  	s19 =	sld [smem:$0x3FDB];
	_ =	sdelay $0x1  }
0x99: {  	s4 =	simm.s32 $_scs_section_size  }
0x9a: {  	s5 =	simm.s32 $_size__tile_overlayer_lowered;
	s6 =	simm.s32 $_tile_overlayer_lowered  }
0x9b: {  	s22 =	simm.s32 $0x1BFF;
	s21 =	sshll.u32 s6, $0x1;
	s3 =	sadd.s32 s4, s19  }
0x9c: {  	s7 =	simm.s32 $0x0;
	s20 =	sshll.u32 s5, $0x1;
	s5 =	sadd.s32 s21, s3  }
0x9d: {  	[timem:s7], [sflag:s22] =	dma.local [hbm:s5], s20  }
0x9e: {  	_ =	swait.ge [sflag:s22], s20  }
0x9f: {  	s4 =	ssub.s32 $0x0, s20;
	[sflag:s22] =	ssyncset.done $0x0  }
0xa0: {  	[sflag:s22] =	ssyncadd.s32 s4;
	_ =	sdelay $0x1  }
0xa1: {  	s23 =	simm.s32 $0x1B8B  }
0xa2: {  	_ =	swait.ge [sflag:s23], $0x1  }
0xa3: {  	[sflag:s23] =	ssyncset.done $0x0  }
0xa4: {  	s25 =	simm.s32 $0x1B8E;
	s24 =	sld [smem:$0x3FFE];
	[sflag:s23] =	ssyncadd.s32 $0xFFFFFFFF  }
0xa5: {  	s26 =	simm.s32 $execute0_lowered;
	[smem:$0x3FD2] =	sst s25  }
0xa6: {  	s5 =	sshll.u32 s26, $0x1;
	_ =	strace $0x80000046;
	[dreg:$0x1] =	wrdreg $0xFFFFFFFF  }
0xa7: {  	s28 =	simm.s32 $_size_execute0_lowered;
	s3 =	sadd.s32 s3, s5;
	[dreg:$0x0] =	wrdreg $0x0  }
0xa8: {  	s5 =	sshll.u32 s28, $0x1;
	[dreg:$0x2] =	wrdreg s3  }
0xa9: {  	[dreg:$0x3] =	wrdreg s5  }
0xaa: {  	[dreg:$0x4] =	wrdreg $0xC0  }
0xab: {  	_ =	task [dreg:s7], $0x5FFFF  }
0xac: {  	[dreg:$0x1] =	wrdreg $0xFFFFFFFF  }
0xad: {  	[dreg:$0x0] =	wrdreg $0x60  }
0xae: {  	[dreg:$0x2] =	wrdreg s24  }
0xaf: {  	[dreg:$0x3] =	wrdreg s2  }
0xb0: {  	[dreg:$0x4] =	wrdreg $0x9  }
0xb1: {  	_ =	task.clear_ibuf [dreg:s7], $0x5FFFF;
	_ =	strace $0x90000046  }
0xb2: {  	s29 =	simm.s32 $0x9;
	_ =	strace $0x80000048  }
0xb3: {  	_ =	swait.ge [sflag:s29], $0x1  }
0xb4: {  	[sflag:s29] =	ssyncadd.s32 $0xFFFFFFFF  }
0xb5: {  	_ =	strace $0x90000048  }
0xb6: {  	_ =	sfence  }
0xb7: {  	s30 =	sld [smem:$0x0];
	_ =	sdelay $0x2  }
0xb8: {  	s31 =	sshll.u32 s1, $0xD;
	s1 =	sshrl.u32 s1, $0x2  }
0xb9: {  	s3 =	sand.u32 $0x4000, s31;
	s1 =	sadd.s32 s1, s30  }
0xba: {  	s0 =	sor.u32 s3, s0;
	s1 =	sshll.u32 s1, $0x11  }
0xbb: {  	s0 =	sor.u32 s1, s0  }
0xbc: {  	s0 =	sadd.s32 $0x8F2B, s0  }
0xbd: {  	[sflag:s0] =	ssyncadd.remote.s32 $0x1  }
0xbe: {  	_ =	sfence.sel $0xFFFF  }
0xbf: {  	[dreg:$0x0] =	wrdreg $0xFFFFFFFF;
	(pc) =	sbr.abs _section_cstart, $3  }
0xc0: {  	[dreg:$0x1] =	wrdreg $0xFFFFFFFF  }
0xc1: {  	_ =	task.clear_ibuf [dreg:s7], $0x2FFFF;
	_ =	strace $0x9FFFFFFF  }
0xc2: {  	(tm) =	ssettm $0x7FFFFFFF  }
0xc3: {  	_ =	shalt  }
tec
execute0_lowered:
.L_overlay_start_1:
0x0: {  	(tag) =	ssettag $0x1  }
0x1: {  	s0 =	srdreg.scid;
	s2 =	stileid.u32  }
0x2: {  	s1 =	rddreg [dreg:$0x0];
	s9 =	simm.s32 $0x80;
	s15 =	simm.s32 $0x13410  }
0x3: {  	s17 =	simm.s32 $0x14410;
	s18 =	simm.s32 $0x15410;
	s19 =	simm.s32 $0x16410  }
0x4: {  	s20 =	simm.s32 $0x17410;
	s21 =	simm.s32 $0x18410;
	s22 =	simm.s32 $0x19410  }
0x5: {  	s23 =	simm.s32 $0x1;
	s24 =	simm.s32 $0x1A410;
	s25 =	simm.s32 $0x2  }
0x6: {  	s26 =	simm.s32 $0x4;
	s0 =	sand.u32 $0x1, s0;
	s3 =	sshll.u32 s2, $0x1  }
0x7: {  	s2 =	rddreg [dreg:$0x1];
	s5 =	sor.u32 s0, s3;
	s0 =	ssub.s32 $0x2, s0  }
0x8: {  	s3 =	simm.s32 $0x0;
	s4 =	smul.u32 $0x2080, s5;
	s7 =	sshrl.u32 s0, $0x1  }
0x9: {  	s28 =	simm.s32 $0x1A810;
	[smem:$0x7FF] =	sst s3;
	s0 =	ssub.s32 s0, s7  }
0xa: {  	_ =	strace $0x80000047;
	s6 =	sadd.s32 s4, s1;
	s0 =	smax.u32 s0, $0x1  }
0xb: {  	s4 =	sadd.s32 $0x241400, s1;
	s31 =	sadd.s32 $0x200400, s6;
	[dreg:$0x4] =	wrdreg s0  }
0xc: {  	v0 =	vimm.f32 $1.000000000e+00;
	s1 =	simm.s32 $0x0;
	s6 =	smul.u32 $0x1A000, s5;
	[dreg:$0x3] =	wrdreg s31  }
.LBB2_1:
0xd: {  	[dreg:$0x5] =	wrdreg s1  }
0xe: {  	s0 =	rddreg [dreg:$0x3];
	s11 =	simm.s32 $0x5  }
0xf: {  	[tilespmem:s3], [sflag:$0x5] =	stream.linear.gather [hbm4b:s0+s3], $0x10400, $0x38;
	[tilespmem:$0x1AC10] =	vst v63  }
0x10: {  	_ =	swait.ge [sflag:s11], $0x10400  }
0x11: {  	[sflag:s11] =	ssyncset.done $0x0  }
0x12: {  	s12 =	simm.s32 $0x10410;
	[sflag:s11] =	ssyncadd.s32 $0xFFFEFC00  }
0x13: {  	[tilespmem:s12], [sflag:$0x1] =	stream.indirect.gather [hbm4b:s4+s9], $0x20, s3, s9, $0xb8;
	[tilespmem:$0x1AC10] =	vst v63  }
0x14: {  	s13 =	simm.s32 $0x11410  }
0x15: {  	[tilespmem:s13], [sflag:$0x1] =	stream.indirect.gather [hbm4b:s4+s9], $0x20, s9, s9, $0xb8;
	[tilespmem:$0x1AC10] =	vst v63  }
0x16: {  	s14 =	simm.s32 $0x100;
	s16 =	simm.s32 $0x12410  }
0x17: {  	[tilespmem:s16], [sflag:$0x1] =	stream.indirect.gather [hbm4b:s4+s9], $0x20, s14, s9, $0xb8;
	[tilespmem:$0x1AC10] =	vst v63  }
0x18: {  	s29 =	simm.s32 $0x180;
	s30 =	simm.s32 $0x200  }
0x19: {  	[tilespmem:s15], [sflag:$0x1] =	stream.indirect.gather [hbm4b:s4+s9], $0x20, s29, s9, $0xb8;
	[tilespmem:$0x1AC10] =	vst v63  }
0x1a: {  	s31 =	simm.s32 $0x280;
	s1 =	simm.s32 $0x0;
	s0 =	simm.s32 $0x0  }
0x1b: {  	[tilespmem:s17], [sflag:$0x1] =	stream.indirect.gather [hbm4b:s4+s9], $0x20, s30, s9, $0xb8;
	[tilespmem:$0x1AC10] =	vst v63  }
.LBB2_2:
0x1c: {  	s12 =	sshllo.u32 s0, $0x1  }
0x1d: {  	s5 =	smul.u32 $0x280, s12;
	_ =	sdelay $0x1  }
0x1e: {  	[tilespmem:s18], [sflag:$0x2] =	stream.indirect.gather [hbm4b:s4+s9], $0x20, s5, s9, $0xb8;
	[tilespmem:$0x1AC10] =	vst v63  }
0x1f: {  	s7 =	sadd.s32 $0x80, s5  }
0x20: {  	[tilespmem:s19], [sflag:$0x2] =	stream.indirect.gather [hbm4b:s4+s9], $0x20, s7, s9, $0xb8;
	[tilespmem:$0x1AC10] =	vst v63  }
0x21: {  	s11 =	sadd.s32 $0x100, s5  }
0x22: {  	[tilespmem:s20], [sflag:$0x2] =	stream.indirect.gather [hbm4b:s4+s9], $0x20, s11, s9, $0xb8;
	[tilespmem:$0x1AC10] =	vst v63  }
0x23: {  	s13 =	sadd.s32 $0x180, s5  }
0x24: {  	[tilespmem:s21], [sflag:$0x2] =	stream.indirect.gather [hbm4b:s4+s9], $0x20, s13, s9, $0xb8;
	[tilespmem:$0x1AC10] =	vst v63  }
0x25: {  	s5 =	sadd.s32 $0x200, s5  }
0x26: {  	[tilespmem:s22], [sflag:$0x2] =	stream.indirect.gather [hbm4b:s4+s9], $0x20, s5, s9, $0xb8;
	[tilespmem:$0x1AC10] =	vst v63  }
0x27: {  	_ =	swait.ge [sflag:s23], $0x5000  }
0x28: {  	p0 =	seq.s32 s0, $0x0;
	[sflag:s23] =	ssyncset.done $0x0  }
0x29: {  	s5 =	simm.s32 @!p0 $0x3;
	[sflag:s23] =	ssyncadd.s32 $0xFFFFB000  }
0x2a: {  	s14 =	simm.s32 $0x0;
	s8 =	sadd.s32 $0x0, s1;
	_ =	swait.ge @!p0 [sflag:s5], $0x400  }
0x2b: {  	s8 =	sand.u32 $0x3FFF8, s8;
	s7 =	sand.u32 $0x4, s14;
	[sflag:s5] =	ssyncset.done @!p0 $0x0  }
0x2c: {  	s7 =	sor.u32 s7, s8;
	[sflag:s5] =	ssyncadd.s32 @!p0 $0xFFFFFC00  }
0x2d: {  	v1 =	vld [tilespmem:s7+$0x0];
	_ =	sdelay $0x1  }
0x2e: {  	s16 =	simm.s32 $0x10550  }
0x2f: {  	v2 =	vld [tilespmem:s16+$0x80]  }
0x30: {  	v3 =	vld [tilespmem:s16+$0xFFFFFEC0]  }
0x31: {  	v4 =	vld [tilespmem:s16+$0xFFFFFED0];
	vm0 =	veq.s32 v1, $0x0  }
0x32: {  	v5 =	vld [tilespmem:s16+$0xFFFFFEE0];
	v1 =	vsel vm0, $0x0, v0  }
0x33: {  	v6 =	vld [tilespmem:s16+$0xFFFFFEF0];
	v7 =	vbroadcast v1, $0x0  }
0x34: {  	v8 =	vld [tilespmem:s16+$0xFFFFFF00]  }
0x35: {  	v10 =	vld [tilespmem:s16+$0xFFFFFF10];
	v9 =	vbroadcast v1, $0x1;
	v3 =	vmul.f32 v7, v3  }
0x36: {  	v38 =	vld [tilespmem:s16+$0xFFFFFF20];
	v4 =	vmul.f32 v7, v4  }
0x37: {  	v12 =	vld [tilespmem:s16+$0xFFFFFF30];
	v11 =	vbroadcast v1, $0x2;
	v5 =	vmul.f32 v5, v9;
	v3 =	vadd.f32 $0.0e+00, v3  }
0x38: {  	v39 =	vld [tilespmem:s16+$0xFFFFFF40];
	v6 =	vmul.f32 v6, v9;
	v4 =	vadd.f32 $0.0e+00, v4  }
0x39: {  	v14 =	vld [tilespmem:s16+$0xFFFFFF50];
	v13 =	vbroadcast v1, $0x3;
	v40 =	vmul.f32 v8, v11;
	v3 =	vadd.f32 v5, v3  }
0x3a: {  	v42 =	vld [tilespmem:s16+$0xFFFFFF60];
	v41 =	vmul.f32 v10, v11;
	v4 =	vadd.f32 v6, v4  }
0x3b: {  	v44 =	vld [tilespmem:s16+$0xFFFFFF70];
	v43 =	vbroadcast v1, $0x4;
	v45 =	vmul.f32 v38, v13;
	v3 =	vadd.f32 v40, v3  }
0x3c: {  	v47 =	vld [tilespmem:s16+$0xFFFFFF80];
	v46 =	vmul.f32 v12, v13;
	v4 =	vadd.f32 v41, v4  }
0x3d: {  	v49 =	vld [tilespmem:s16+$0xFFFFFF90];
	v48 =	vbroadcast v1, $0x5;
	v50 =	vmul.f32 v39, v43;
	v3 =	vadd.f32 v45, v3  }
0x3e: {  	v52 =	vld [tilespmem:s16+$0xFFFFFFA0];
	v51 =	vmul.f32 v14, v43;
	v4 =	vadd.f32 v46, v4  }
0x3f: {  	v54 =	vld [tilespmem:s16+$0xFFFFFFB0];
	v53 =	vbroadcast v1, $0x6;
	v55 =	vmul.f32 v42, v48;
	v3 =	vadd.f32 v50, v3  }
0x40: {  	v57 =	vld [tilespmem:s16+$0xFFFFFFC0];
	v56 =	vmul.f32 v44, v48;
	v4 =	vadd.f32 v51, v4  }
0x41: {  	v59 =	vld [tilespmem:s16+$0xFFFFFFD0];
	v58 =	vbroadcast v1, $0x7;
	v60 =	vmul.f32 v47, v53;
	v3 =	vadd.f32 v55, v3  }
0x42: {  	v62 =	vld [tilespmem:s16+$0xFFFFFFE0];
	v61 =	vmul.f32 v49, v53;
	v4 =	vadd.f32 v56, v4  }
0x43: {  	v16 =	vld [tilespmem:s16+$0xFFFFFFF0];
	v63 =	vbroadcast v1, $0x8;
	v17 =	vmul.f32 v52, v58;
	v3 =	vadd.f32 v60, v3  }
0x44: {  	v19 =	vld [tilespmem:s16+$0x0];
	v18 =	vmul.f32 v54, v58;
	v4 =	vadd.f32 v61, v4  }
0x45: {  	v21 =	vld [tilespmem:s16+$0x10];
	v20 =	vbroadcast v1, $0x9;
	v22 =	vmul.f32 v57, v63;
	v3 =	vadd.f32 v17, v3  }
0x46: {  	v24 =	vld [tilespmem:s16+$0x20];
	v23 =	vmul.f32 v59, v63;
	v4 =	vadd.f32 v18, v4  }
0x47: {  	v26 =	vld [tilespmem:s16+$0x30];
	v25 =	vbroadcast v1, $0xA;
	v27 =	vmul.f32 v62, v20;
	v3 =	vadd.f32 v22, v3  }
0x48: {  	v29 =	vld [tilespmem:s16+$0x40];
	v28 =	vmul.f32 v16, v20;
	v4 =	vadd.f32 v23, v4  }
0x49: {  	v31 =	vld [tilespmem:s16+$0x50];
	v30 =	vbroadcast v1, $0xB;
	v32 =	vmul.f32 v19, v25;
	v3 =	vadd.f32 v27, v3  }
0x4a: {  	v34 =	vld [tilespmem:s16+$0x60];
	v33 =	vmul.f32 v21, v25;
	v4 =	vadd.f32 v28, v4  }
0x4b: {  	v36 =	vld [tilespmem:s16+$0x70];
	v35 =	vbroadcast v1, $0xC;
	v37 =	vmul.f32 v24, v30;
	v3 =	vadd.f32 v32, v3  }
0x4c: {  	v38 =	vmul.f32 v26, v30;
	v39 =	vld [tilespmem:s7+$0x10];
	v4 =	vadd.f32 v33, v4  }
0x4d: {  	v42 =	vmul.f32 v29, v35;
	v40 =	vbroadcast v1, $0xD;
	v41 =	vld [tilespmem:s16+$0x90];
	v3 =	vadd.f32 v37, v3  }
0x4e: {  	v43 =	vmul.f32 v31, v35;
	v44 =	vld [tilespmem:s16+$0xA0];
	v4 =	vadd.f32 v38, v4  }
0x4f: {  	v45 =	vld [tilespmem:s16+$0xB0];
	v46 =	vbroadcast v1, $0xE;
	v47 =	vmul.f32 v34, v40;
	v3 =	vadd.f32 v42, v3  }
0x50: {  	v49 =	vld [tilespmem:s16+$0xC0];
	v48 =	vmul.f32 v36, v40;
	v4 =	vadd.f32 v43, v4  }
0x51: {  	v1 =	vbroadcast v1, $0xF;
	v2 =	vmul.f32 v2, v46;
	v50 =	vld [tilespmem:s16+$0xD0];
	v3 =	vadd.f32 v47, v3  }
0x52: {  	v53 =	vld [tilespmem:s16+$0xE0];
	vm15 =	veq.s32 v39, $0x0;
	v51 =	vmul.f32 v41, v46;
	v4 =	vadd.f32 v48, v4  }
0x53: {  	v54 =	vld [tilespmem:s16+$0xF0];
	v52 =	vsel vm15, $0x0, v0;
	v7 =	vmul.f32 v44, v1;
	v2 =	vadd.f32 v2, v3  }
0x54: {  	v55 =	vld [tilespmem:s16+$0x100];
	v1 =	vmul.f32 v45, v1;
	v3 =	vbroadcast v52, $0x0;
	v4 =	vadd.f32 v51, v4  }
0x55: {  	v58 =	vld [tilespmem:s16+$0x110];
	v56 =	vbroadcast v52, $0x1;
	v2 =	vadd.f32 v7, v2  }
0x56: {  	v59 =	vld [tilespmem:s16+$0x120];
	v57 =	vmul.f32 v49, v3;
	v1 =	vadd.f32 v1, v4;
	v3 =	vmul.f32 v50, v3  }
0x57: {  	v62 =	vld [tilespmem:s16+$0x130];
	v60 =	vbroadcast v52, $0x2;
	v61 =	vmul.f32 v53, v56  }
0x58: {  	v2 =	vadd.f32 v57, v2;
	v1 =	vadd.f32 v3, v1;
	v3 =	vmul.f32 v54, v56  }
0x59: {  	v6 =	vbroadcast v52, $0x3;
	v63 =	vmul.f32 v55, v60  }
0x5a: {  	v2 =	vadd.f32 v61, v2;
	v1 =	vadd.f32 v3, v1;
	v3 =	vmul.f32 v58, v60  }
0x5b: {  	v4 =	vmul.f32 v59, v6  }
0x5c: {  	s29 =	simm.s32 $0x14;
	s10 =	simm.s32 $0x28;
	v2 =	vadd.f32 v63, v2;
	v1 =	vadd.f32 v3, v1;
	v3 =	vmul.f32 v62, v6  }
0x5d: {  	s30 =	sadd.s32 $0x14, s1;
	s14 =	smul.u32 $0x500, s0;
	s8 =	sand.u32 $0x4, s29  }
0x5e: {  	s5 =	simm.s32 $0x107D0;
	s7 =	simm.s32 $0x1A420;
	s16 =	simm.s32 $0x1A440;
	v2 =	vadd.f32 v4, v2;
	v1 =	vadd.f32 v3, v1  }
.LBB2_3:
0x5f: {  	s11 =	sand.u32 $0x4, s10  }
0x60: {  	s13 =	sand.u32 $0x3FFF8, s30;
	[tilespmem:s7+$0xFFFFFFF0] =	vst v2;
	s30 =	smov.u32 s10;
	s29 =	sadd.s32 $0x14, s10  }
0x61: {  	p1 =	sne.s32 s10, $0x26C;
	s10 =	sor.u32 s8, s13;
	[tilespmem:s7+$0x0] =	vst v1;
	s8 =	smov.u32 s11  }
0x62: {  	s7 =	smov.u32 s16;
	v3 =	vld [tilespmem:s10+$0x0]  }
0x63: {  	v1 =	vld [tilespmem:s5+$0xB0]  }
0x64: {  	v2 =	vld [tilespmem:s5+$0x80]  }
0x65: {  	v4 =	vld [tilespmem:s5+$0xFFFFFED0]  }
0x66: {  	v5 =	vld [tilespmem:s5+$0xFFFFFEC0]  }
0x67: {  	vm0 =	veq.s32 v3, $0x0;
	v3 =	vld [tilespmem:s5+$0xFFFFFEF0]  }
0x68: {  	v6 =	vsel vm0, $0x0, v0;
	v7 =	vld [tilespmem:s5+$0xFFFFFEE0]  }
0x69: {  	v8 =	vbroadcast v6, $0x0;
	v9 =	vbroadcast v6, $0x1;
	v10 =	vld [tilespmem:s5+$0xFFFFFF10]  }
0x6a: {  	v12 =	vbroadcast v6, $0x2;
	v13 =	vbroadcast v6, $0x3;
	v11 =	vld [tilespmem:s5+$0xFFFFFF00]  }
0x6b: {  	v5 =	vmul.f32 v8, v5;
	v4 =	vmul.f32 v8, v4;
	v8 =	vld [tilespmem:s5+$0xFFFFFF30]  }
0x6c: {  	v15 =	vbroadcast v6, $0x4;
	v3 =	vmul.f32 v3, v9;
	v14 =	vld [tilespmem:s5+$0xFFFFFF20]  }
0x6d: {  	v5 =	vadd.f32 $0.0e+00, v5;
	v4 =	vadd.f32 $0.0e+00, v4;
	v7 =	vmul.f32 v7, v9;
	v9 =	vld [tilespmem:s5+$0xFFFFFF50]  }
0x6e: {  	v17 =	vbroadcast v6, $0x5;
	v10 =	vmul.f32 v10, v12;
	v16 =	vld [tilespmem:s5+$0xFFFFFF40]  }
0x6f: {  	v5 =	vadd.f32 v7, v5;
	v3 =	vadd.f32 v3, v4;
	v4 =	vmul.f32 v11, v12;
	v7 =	vld [tilespmem:s5+$0xFFFFFF70]  }
0x70: {  	v12 =	vbroadcast v6, $0x6;
	v8 =	vmul.f32 v8, v13;
	v11 =	vld [tilespmem:s5+$0xFFFFFF60]  }
0x71: {  	v4 =	vadd.f32 v4, v5;
	v3 =	vadd.f32 v10, v3;
	v5 =	vmul.f32 v14, v13;
	v10 =	vld [tilespmem:s5+$0xFFFFFF90]  }
0x72: {  	v14 =	vbroadcast v6, $0x7;
	v9 =	vmul.f32 v9, v15;
	v13 =	vld [tilespmem:s5+$0xFFFFFF80]  }
0x73: {  	v4 =	vadd.f32 v5, v4;
	v3 =	vadd.f32 v8, v3;
	v5 =	vmul.f32 v16, v15;
	v8 =	vld [tilespmem:s5+$0xFFFFFFB0]  }
0x74: {  	v16 =	vbroadcast v6, $0x8;
	v7 =	vmul.f32 v7, v17;
	v15 =	vld [tilespmem:s5+$0xFFFFFFA0]  }
0x75: {  	v4 =	vadd.f32 v5, v4;
	v3 =	vadd.f32 v9, v3;
	v5 =	vmul.f32 v11, v17;
	v9 =	vld [tilespmem:s5+$0xFFFFFFD0]  }
0x76: {  	v17 =	vbroadcast v6, $0x9;
	v10 =	vmul.f32 v10, v12;
	v11 =	vld [tilespmem:s5+$0xFFFFFFC0]  }
0x77: {  	v4 =	vadd.f32 v5, v4;
	v3 =	vadd.f32 v7, v3;
	v5 =	vmul.f32 v13, v12;
	v7 =	vld [tilespmem:s5+$0xFFFFFFF0]  }
0x78: {  	v13 =	vbroadcast v6, $0xA;
	v8 =	vmul.f32 v8, v14;
	v12 =	vld [tilespmem:s5+$0xFFFFFFE0]  }
0x79: {  	v4 =	vadd.f32 v5, v4;
	v3 =	vadd.f32 v10, v3;
	v5 =	vmul.f32 v15, v14;
	v10 =	vld [tilespmem:s5+$0x10]  }
0x7a: {  	v15 =	vbroadcast v6, $0xB;
	v9 =	vmul.f32 v9, v16;
	v14 =	vld [tilespmem:s5+$0x0]  }
0x7b: {  	v4 =	vadd.f32 v5, v4;
	v3 =	vadd.f32 v8, v3;
	v5 =	vmul.f32 v11, v16;
	v8 =	vld [tilespmem:s5+$0x30]  }
0x7c: {  	v16 =	vbroadcast v6, $0xC;
	v7 =	vmul.f32 v7, v17;
	v11 =	vld [tilespmem:s5+$0x20]  }
0x7d: {  	v4 =	vadd.f32 v5, v4;
	v3 =	vadd.f32 v9, v3;
	v5 =	vmul.f32 v12, v17;
	v9 =	vld [tilespmem:s5+$0x50]  }
0x7e: {  	v17 =	vbroadcast v6, $0xD;
	v10 =	vmul.f32 v10, v13;
	v12 =	vld [tilespmem:s5+$0x40]  }
0x7f: {  	v4 =	vadd.f32 v5, v4;
	v3 =	vadd.f32 v7, v3;
	v5 =	vmul.f32 v14, v13;
	v7 =	vld [tilespmem:s5+$0x70]  }
0x80: {  	v14 =	vbroadcast v6, $0xE;
	v8 =	vmul.f32 v8, v15;
	v13 =	vld [tilespmem:s5+$0x60]  }
0x81: {  	v4 =	vadd.f32 v5, v4;
	v3 =	vadd.f32 v10, v3;
	v5 =	vmul.f32 v11, v15;
	v10 =	vld [tilespmem:s5+$0x90]  }
0x82: {  	v6 =	vbroadcast v6, $0xF;
	v11 =	vld [tilespmem:s10+$0x10];
	v9 =	vmul.f32 v9, v16  }
0x83: {  	v4 =	vadd.f32 v5, v4;
	v3 =	vadd.f32 v8, v3;
	v5 =	vmul.f32 v12, v16;
	v8 =	vld [tilespmem:s5+$0xA0]  }
0x84: {  	v7 =	vmul.f32 v7, v17  }
0x85: {  	v4 =	vadd.f32 v5, v4;
	v3 =	vadd.f32 v9, v3;
	v5 =	vmul.f32 v13, v17  }
0x86: {  	v2 =	vmul.f32 v2, v14;
	v9 =	vmul.f32 v10, v14;
	v10 =	vld [tilespmem:s5+$0xC0]  }
0x87: {  	vm0 =	veq.s32 v11, $0x0;
	v4 =	vadd.f32 v5, v4;
	v3 =	vadd.f32 v7, v3;
	v5 =	vld [tilespmem:s5+$0xD0]  }
0x88: {  	v1 =	vmul.f32 v1, v6;
	v7 =	vsel vm0, $0x0, v0;
	v8 =	vmul.f32 v8, v6;
	v6 =	vld [tilespmem:s5+$0xE0]  }
0x89: {  	v2 =	vadd.f32 v2, v4;
	v3 =	vadd.f32 v9, v3;
	v4 =	vbroadcast v7, $0x0;
	v9 =	vld [tilespmem:s5+$0xF0]  }
0x8a: {  	v11 =	vbroadcast v7, $0x1;
	v13 =	vbroadcast v7, $0x2;
	v12 =	vld [tilespmem:s5+$0x100]  }
0x8b: {  	v2 =	vadd.f32 v8, v2;
	v1 =	vadd.f32 v1, v3;
	v3 =	vmul.f32 v10, v4;
	v8 =	vld [tilespmem:s5+$0x110]  }
0x8c: {  	v7 =	vbroadcast v7, $0x3;
	v4 =	vmul.f32 v5, v4;
	v5 =	vld [tilespmem:s5+$0x120]  }
0x8d: {  	v2 =	vadd.f32 v3, v2;
	v3 =	vmul.f32 v6, v11;
	v6 =	vld [tilespmem:s5+$0x130]  }
0x8e: {  	v1 =	vadd.f32 v4, v1;
	v4 =	vmul.f32 v9, v11  }
0x8f: {  	v2 =	vadd.f32 v3, v2;
	v3 =	vmul.f32 v12, v13  }
.Ltmp0:
0x90: {  	v1 =	vadd.f32 v4, v1;
	v4 =	vmul.f32 v8, v13;
	(pc) =	sbr.rel @p1 .LBB2_3-.Ltmp0, $4  }
0x91: {  	v2 =	vadd.f32 v3, v2;
	v3 =	vmul.f32 v5, v7  }
0x92: {  	v1 =	vadd.f32 v4, v1;
	v4 =	vmul.f32 v6, v7  }
0x93: {  	s30 =	sadd.s32 s30, s1;
	v2 =	vadd.f32 v3, v2  }
0x94: {  	s16 =	sadd.s32 $0x20, s16;
	s10 =	smov.u32 s29;
	s5 =	sadd.s32 $0x280, s5;
	v1 =	vadd.f32 v4, v1  }
0x95: {  	s10 =	sand.u32 $0x3FFF8, s30;
	[tilespmem:s7+$0xFFFFFFF0] =	vst v2  }
0x96: {  	s8 =	sor.u32 s8, s10;
	[tilespmem:s7+$0x0] =	vst v1  }
0x97: {  	v1 =	vld [tilespmem:s8+$0x0];
	_ =	sdelay $0x2  }
0x98: {  	v3 =	vld [tilespmem:s5+$0xFFFFFEC0]  }
0x99: {  	v4 =	vld [tilespmem:s5+$0xFFFFFED0]  }
0x9a: {  	v5 =	vld [tilespmem:s5+$0xFFFFFEE0];
	vm0 =	veq.s32 v1, $0x0  }
0x9b: {  	v6 =	vld [tilespmem:s5+$0xFFFFFEF0];
	v1 =	vsel vm0, $0x0, v0  }
0x9c: {  	v8 =	vld [tilespmem:s5+$0xFFFFFF00];
	v7 =	vbroadcast v1, $0x0  }
0x9d: {  	v10 =	vld [tilespmem:s5+$0xFFFFFF10]  }
0x9e: {  	v38 =	vld [tilespmem:s5+$0xFFFFFF20];
	v9 =	vbroadcast v1, $0x1;
	v3 =	vmul.f32 v7, v3  }
0x9f: {  	v12 =	vld [tilespmem:s5+$0xFFFFFF30];
	v4 =	vmul.f32 v7, v4  }
0xa0: {  	v39 =	vld [tilespmem:s5+$0xFFFFFF40];
	v11 =	vbroadcast v1, $0x2;
	v5 =	vmul.f32 v5, v9;
	v3 =	vadd.f32 $0.0e+00, v3  }
0xa1: {  	v14 =	vld [tilespmem:s5+$0xFFFFFF50];
	v6 =	vmul.f32 v6, v9;
	v4 =	vadd.f32 $0.0e+00, v4  }
0xa2: {  	v42 =	vld [tilespmem:s5+$0xFFFFFF60];
	v13 =	vbroadcast v1, $0x3;
	v40 =	vmul.f32 v8, v11;
	v3 =	vadd.f32 v5, v3  }
0xa3: {  	v44 =	vld [tilespmem:s5+$0xFFFFFF70];
	v41 =	vmul.f32 v10, v11;
	v4 =	vadd.f32 v6, v4  }
0xa4: {  	v47 =	vld [tilespmem:s5+$0xFFFFFF80];
	v43 =	vbroadcast v1, $0x4;
	v45 =	vmul.f32 v38, v13;
	v3 =	vadd.f32 v40, v3  }
0xa5: {  	v49 =	vld [tilespmem:s5+$0xFFFFFF90];
	v46 =	vmul.f32 v12, v13;
	v4 =	vadd.f32 v41, v4  }
0xa6: {  	v52 =	vld [tilespmem:s5+$0xFFFFFFA0];
	v48 =	vbroadcast v1, $0x5;
	v50 =	vmul.f32 v39, v43;
	v3 =	vadd.f32 v45, v3  }
0xa7: {  	v54 =	vld [tilespmem:s5+$0xFFFFFFB0];
	v51 =	vmul.f32 v14, v43;
	v4 =	vadd.f32 v46, v4  }
0xa8: {  	v57 =	vld [tilespmem:s5+$0xFFFFFFC0];
	v53 =	vbroadcast v1, $0x6;
	v55 =	vmul.f32 v42, v48;
	v3 =	vadd.f32 v50, v3  }
0xa9: {  	v59 =	vld [tilespmem:s5+$0xFFFFFFD0];
	v56 =	vmul.f32 v44, v48;
	v4 =	vadd.f32 v51, v4  }
0xaa: {  	v62 =	vld [tilespmem:s5+$0xFFFFFFE0];
	v58 =	vbroadcast v1, $0x7;
	v60 =	vmul.f32 v47, v53;
	v3 =	vadd.f32 v55, v3  }
0xab: {  	v16 =	vld [tilespmem:s5+$0xFFFFFFF0];
	v61 =	vmul.f32 v49, v53;
	v4 =	vadd.f32 v56, v4  }
0xac: {  	v19 =	vld [tilespmem:s5+$0x0];
	v63 =	vbroadcast v1, $0x8;
	v17 =	vmul.f32 v52, v58;
	v3 =	vadd.f32 v60, v3  }
0xad: {  	v21 =	vld [tilespmem:s5+$0x10];
	v18 =	vmul.f32 v54, v58;
	v4 =	vadd.f32 v61, v4  }
0xae: {  	v24 =	vld [tilespmem:s5+$0x20];
	v20 =	vbroadcast v1, $0x9;
	v22 =	vmul.f32 v57, v63;
	v3 =	vadd.f32 v17, v3  }
0xaf: {  	v26 =	vld [tilespmem:s5+$0x30];
	v23 =	vmul.f32 v59, v63;
	v4 =	vadd.f32 v18, v4  }
0xb0: {  	v29 =	vld [tilespmem:s5+$0x40];
	v25 =	vbroadcast v1, $0xA;
	v27 =	vmul.f32 v62, v20;
	v3 =	vadd.f32 v22, v3  }
0xb1: {  	v31 =	vld [tilespmem:s5+$0x50];
	v28 =	vmul.f32 v16, v20;
	v4 =	vadd.f32 v23, v4  }
0xb2: {  	v34 =	vld [tilespmem:s5+$0x60];
	v30 =	vbroadcast v1, $0xB;
	v32 =	vmul.f32 v19, v25;
	v3 =	vadd.f32 v27, v3  }
0xb3: {  	v36 =	vld [tilespmem:s5+$0x70];
	v33 =	vmul.f32 v21, v25;
	v4 =	vadd.f32 v28, v4  }
0xb4: {  	v35 =	vbroadcast v1, $0xC;
	v37 =	vmul.f32 v24, v30;
	v39 =	vld [tilespmem:s8+$0x10];
	v3 =	vadd.f32 v32, v3  }
0xb5: {  	v2 =	vld [tilespmem:s5+$0x80];
	v38 =	vmul.f32 v26, v30;
	v4 =	vadd.f32 v33, v4  }
0xb6: {  	v42 =	vmul.f32 v29, v35;
	v40 =	vbroadcast v1, $0xD;
	v41 =	vld [tilespmem:s5+$0x90];
	v3 =	vadd.f32 v37, v3  }
0xb7: {  	v43 =	vmul.f32 v31, v35;
	v44 =	vld [tilespmem:s5+$0xA0];
	v4 =	vadd.f32 v38, v4  }
0xb8: {  	v45 =	vld [tilespmem:s5+$0xB0];
	v46 =	vbroadcast v1, $0xE;
	v47 =	vmul.f32 v34, v40;
	v3 =	vadd.f32 v42, v3  }
0xb9: {  	v49 =	vld [tilespmem:s5+$0xC0];
	vm15 =	veq.s32 v39, $0x0;
	v48 =	vmul.f32 v36, v40;
	v4 =	vadd.f32 v43, v4  }
0xba: {  	v1 =	vbroadcast v1, $0xF;
	v2 =	vmul.f32 v2, v46;
	v50 =	vld [tilespmem:s5+$0xD0];
	v3 =	vadd.f32 v47, v3  }
0xbb: {  	v53 =	vld [tilespmem:s5+$0xE0];
	v52 =	vsel vm15, $0x0, v0;
	v51 =	vmul.f32 v41, v46;
	v4 =	vadd.f32 v48, v4  }
0xbc: {  	v54 =	vld [tilespmem:s5+$0xF0];
	v7 =	vmul.f32 v44, v1;
	v2 =	vadd.f32 v2, v3;
	v3 =	vbroadcast v52, $0x0  }
0xbd: {  	v55 =	vld [tilespmem:s5+$0x100];
	v1 =	vmul.f32 v45, v1;
	v4 =	vadd.f32 v51, v4  }
0xbe: {  	v58 =	vld [tilespmem:s5+$0x110];
	v56 =	vbroadcast v52, $0x1;
	v2 =	vadd.f32 v7, v2;
	v57 =	vmul.f32 v49, v3  }
0xbf: {  	v59 =	vld [tilespmem:s5+$0x120];
	v1 =	vadd.f32 v1, v4;
	v3 =	vmul.f32 v50, v3  }
0xc0: {  	v62 =	vld [tilespmem:s5+$0x130];
	v60 =	vbroadcast v52, $0x2;
	v61 =	vmul.f32 v53, v56;
	v2 =	vadd.f32 v57, v2  }
0xc1: {  	v1 =	vadd.f32 v3, v1;
	v3 =	vmul.f32 v54, v56  }
0xc2: {  	v6 =	vbroadcast v52, $0x3;
	v63 =	vmul.f32 v55, v60;
	v2 =	vadd.f32 v61, v2  }
0xc3: {  	v1 =	vadd.f32 v3, v1;
	v3 =	vmul.f32 v58, v60  }
0xc4: {  	v4 =	vmul.f32 v59, v6;
	v2 =	vadd.f32 v63, v2  }
0xc5: {  	p1 =	sne.s32 s0, $0x33;
	v1 =	vadd.f32 v3, v1;
	v3 =	vmul.f32 v62, v6  }
.Ltmp1:
0xc6: {  	s30 =	sshll.u32 s0, $0xB;
	v2 =	vadd.f32 v4, v2;
	(pc) =	sbr.rel @p1 .LBB2_6-.Ltmp1, $4  }
0xc7: {  	s5 =	sadd.s32 s6, s30;
	v1 =	vadd.f32 v3, v1  }
0xc8: {  	s5 =	sshrl.u32 s5, $0x3;
	[tilespmem:s16+$0xFFFFFFF0] =	vst v2  }
0xc9: {  	s5 =	sadd.s32 s2, s5;
	[tilespmem:s16+$0x0] =	vst v1  }
0xca: {  	[hbm4b:s5+s3] =	stream.linear.scatter [tilespmem:s24], [sflag:$0x3], $0x400, $0x38;
	[tilespmem:$0x1AC10] =	vst v63  }
.Ltmp2:
0xcb: {  	(pc) =	sbr.rel .LBB2_7-.Ltmp2, $4  }
0xcc: {  	_ = 	snop  }
0xcd: {  	_ =	swait.ge [sflag:s25], $0x5000  }
0xce: {  	[sflag:s25] =	ssyncset.done $0x0  }
0xcf: {  	[sflag:s25] =	ssyncadd.s32 $0xFFFFB000  }
.LBB2_6:
0xd0: {  	s5 =	sadd.s32 $0x500, s14;
	s7 =	simm.s32 $0x10410  }
0xd1: {  	[tilespmem:s7], [sflag:$0x1] =	stream.indirect.gather [hbm4b:s4+s9], $0x20, s5, s9, $0xb8;
	[tilespmem:$0x1AC10] =	vst v63  }
0xd2: {  	s10 =	sadd.s32 $0x580, s14;
	s11 =	simm.s32 $0x11410  }
0xd3: {  	[tilespmem:s11], [sflag:$0x1] =	stream.indirect.gather [hbm4b:s4+s9], $0x20, s10, s9, $0xb8;
	[tilespmem:$0x1AC10] =	vst v63  }
0xd4: {  	s13 =	sadd.s32 $0x600, s14;
	s16 =	simm.s32 $0x12410  }
0xd5: {  	[tilespmem:s16], [sflag:$0x1] =	stream.indirect.gather [hbm4b:s4+s9], $0x20, s13, s9, $0xb8;
	[tilespmem:$0x1AC10] =	vst v63  }
0xd6: {  	s29 =	sadd.s32 $0x680, s14  }
0xd7: {  	[tilespmem:s15], [sflag:$0x1] =	stream.indirect.gather [hbm4b:s4+s9], $0x20, s29, s9, $0xb8;
	[tilespmem:$0x1AC10] =	vst v63  }
.Ltmp3:
0xd8: {  	s30 =	sadd.s32 $0x700, s14;
	(pc) =	sbr.rel @p0 .LBB2_8-.Ltmp3, $4  }
0xd9: {  	[tilespmem:s17], [sflag:$0x1] =	stream.indirect.gather [hbm4b:s4+s9], $0x20, s30, s9, $0xb8;
	[tilespmem:$0x1AC10] =	vst v63  }
0xda: {  	_ =	swait.ge [sflag:s25], $0x5000  }
0xdb: {  	[sflag:s25] =	ssyncset.done $0x0  }
0xdc: {  	[sflag:s25] =	ssyncadd.s32 $0xFFFFB000  }
.LBB2_7:
0xdd: {  	_ =	swait.ge [sflag:s26], $0x400  }
0xde: {  	[sflag:s26] =	ssyncset.done $0x0  }
0xdf: {  	[sflag:s26] =	ssyncadd.s32 $0xFFFFFC00  }
.LBB2_8:
0xe0: {  	s5 =	simm.s32 $0x0;
	s7 =	sadd.s32 $0x0, s31  }
0xe1: {  	s5 =	sand.u32 $0x4, s5;
	s7 =	sand.u32 $0x3FFF8, s7  }
0xe2: {  	s7 =	sor.u32 s5, s7  }
0xe3: {  	v1 =	vld [tilespmem:s7+$0x0];
	_ =	sdelay $0x1  }
0xe4: {  	s16 =	simm.s32 $0x15550  }
0xe5: {  	v2 =	vld [tilespmem:s16+$0x80]  }
0xe6: {  	v3 =	vld [tilespmem:s16+$0xFFFFFEC0]  }
0xe7: {  	v4 =	vld [tilespmem:s16+$0xFFFFFED0];
	vm0 =	veq.s32 v1, $0x0  }
0xe8: {  	v5 =	vld [tilespmem:s16+$0xFFFFFEE0];
	v1 =	vsel vm0, $0x0, v0  }
0xe9: {  	v6 =	vld [tilespmem:s16+$0xFFFFFEF0];
	v7 =	vbroadcast v1, $0x0  }
0xea: {  	v8 =	vld [tilespmem:s16+$0xFFFFFF00]  }
0xeb: {  	v10 =	vld [tilespmem:s16+$0xFFFFFF10];
	v9 =	vbroadcast v1, $0x1;
	v3 =	vmul.f32 v7, v3  }
0xec: {  	v38 =	vld [tilespmem:s16+$0xFFFFFF20];
	v4 =	vmul.f32 v7, v4  }
0xed: {  	v12 =	vld [tilespmem:s16+$0xFFFFFF30];
	v11 =	vbroadcast v1, $0x2;
	v5 =	vmul.f32 v5, v9;
	v3 =	vadd.f32 $0.0e+00, v3  }
0xee: {  	v39 =	vld [tilespmem:s16+$0xFFFFFF40];
	v6 =	vmul.f32 v6, v9;
	v4 =	vadd.f32 $0.0e+00, v4  }
0xef: {  	v14 =	vld [tilespmem:s16+$0xFFFFFF50];
	v13 =	vbroadcast v1, $0x3;
	v40 =	vmul.f32 v8, v11;
	v3 =	vadd.f32 v5, v3  }
0xf0: {  	v42 =	vld [tilespmem:s16+$0xFFFFFF60];
	v41 =	vmul.f32 v10, v11;
	v4 =	vadd.f32 v6, v4  }
0xf1: {  	v44 =	vld [tilespmem:s16+$0xFFFFFF70];
	v43 =	vbroadcast v1, $0x4;
	v45 =	vmul.f32 v38, v13;
	v3 =	vadd.f32 v40, v3  }
0xf2: {  	v47 =	vld [tilespmem:s16+$0xFFFFFF80];
	v46 =	vmul.f32 v12, v13;
	v4 =	vadd.f32 v41, v4  }
0xf3: {  	v49 =	vld [tilespmem:s16+$0xFFFFFF90];
	v48 =	vbroadcast v1, $0x5;
	v50 =	vmul.f32 v39, v43;
	v3 =	vadd.f32 v45, v3  }
0xf4: {  	v52 =	vld [tilespmem:s16+$0xFFFFFFA0];
	v51 =	vmul.f32 v14, v43;
	v4 =	vadd.f32 v46, v4  }
0xf5: {  	v54 =	vld [tilespmem:s16+$0xFFFFFFB0];
	v53 =	vbroadcast v1, $0x6;
	v55 =	vmul.f32 v42, v48;
	v3 =	vadd.f32 v50, v3  }
0xf6: {  	v57 =	vld [tilespmem:s16+$0xFFFFFFC0];
	v56 =	vmul.f32 v44, v48;
	v4 =	vadd.f32 v51, v4  }
0xf7: {  	v59 =	vld [tilespmem:s16+$0xFFFFFFD0];
	v58 =	vbroadcast v1, $0x7;
	v60 =	vmul.f32 v47, v53;
	v3 =	vadd.f32 v55, v3  }
0xf8: {  	v62 =	vld [tilespmem:s16+$0xFFFFFFE0];
	v61 =	vmul.f32 v49, v53;
	v4 =	vadd.f32 v56, v4  }
0xf9: {  	v16 =	vld [tilespmem:s16+$0xFFFFFFF0];
	v63 =	vbroadcast v1, $0x8;
	v17 =	vmul.f32 v52, v58;
	v3 =	vadd.f32 v60, v3  }
0xfa: {  	v19 =	vld [tilespmem:s16+$0x0];
	v18 =	vmul.f32 v54, v58;
	v4 =	vadd.f32 v61, v4  }
0xfb: {  	v21 =	vld [tilespmem:s16+$0x10];
	v20 =	vbroadcast v1, $0x9;
	v22 =	vmul.f32 v57, v63;
	v3 =	vadd.f32 v17, v3  }
0xfc: {  	v24 =	vld [tilespmem:s16+$0x20];
	v23 =	vmul.f32 v59, v63;
	v4 =	vadd.f32 v18, v4  }
0xfd: {  	v26 =	vld [tilespmem:s16+$0x30];
	v25 =	vbroadcast v1, $0xA;
	v27 =	vmul.f32 v62, v20;
	v3 =	vadd.f32 v22, v3  }
0xfe: {  	v29 =	vld [tilespmem:s16+$0x40];
	v28 =	vmul.f32 v16, v20;
	v4 =	vadd.f32 v23, v4  }
0xff: {  	v31 =	vld [tilespmem:s16+$0x50];
	v30 =	vbroadcast v1, $0xB;
	v32 =	vmul.f32 v19, v25;
	v3 =	vadd.f32 v27, v3  }
0x100: {  	v34 =	vld [tilespmem:s16+$0x60];
	v33 =	vmul.f32 v21, v25;
	v4 =	vadd.f32 v28, v4  }
0x101: {  	v36 =	vld [tilespmem:s16+$0x70];
	v35 =	vbroadcast v1, $0xC;
	v37 =	vmul.f32 v24, v30;
	v3 =	vadd.f32 v32, v3  }
0x102: {  	v38 =	vmul.f32 v26, v30;
	v39 =	vld [tilespmem:s7+$0x10];
	v4 =	vadd.f32 v33, v4  }
0x103: {  	v42 =	vmul.f32 v29, v35;
	v40 =	vbroadcast v1, $0xD;
	v41 =	vld [tilespmem:s16+$0x90];
	v3 =	vadd.f32 v37, v3  }
0x104: {  	v43 =	vmul.f32 v31, v35;
	v44 =	vld [tilespmem:s16+$0xA0];
	v4 =	vadd.f32 v38, v4  }
0x105: {  	v45 =	vld [tilespmem:s16+$0xB0];
	v46 =	vbroadcast v1, $0xE;
	v47 =	vmul.f32 v34, v40;
	v3 =	vadd.f32 v42, v3  }
0x106: {  	v49 =	vld [tilespmem:s16+$0xC0];
	v48 =	vmul.f32 v36, v40;
	v4 =	vadd.f32 v43, v4  }
0x107: {  	v1 =	vbroadcast v1, $0xF;
	v2 =	vmul.f32 v2, v46;
	v50 =	vld [tilespmem:s16+$0xD0];
	v3 =	vadd.f32 v47, v3  }
0x108: {  	v53 =	vld [tilespmem:s16+$0xE0];
	vm15 =	veq.s32 v39, $0x0;
	v51 =	vmul.f32 v41, v46;
	v4 =	vadd.f32 v48, v4  }
0x109: {  	v54 =	vld [tilespmem:s16+$0xF0];
	v52 =	vsel vm15, $0x0, v0;
	v7 =	vmul.f32 v44, v1;
	v2 =	vadd.f32 v2, v3  }
0x10a: {  	v55 =	vld [tilespmem:s16+$0x100];
	v1 =	vmul.f32 v45, v1;
	v3 =	vbroadcast v52, $0x0;
	v4 =	vadd.f32 v51, v4  }
0x10b: {  	v58 =	vld [tilespmem:s16+$0x110];
	v56 =	vbroadcast v52, $0x1;
	v2 =	vadd.f32 v7, v2  }
0x10c: {  	v59 =	vld [tilespmem:s16+$0x120];
	v57 =	vmul.f32 v49, v3;
	v1 =	vadd.f32 v1, v4;
	v3 =	vmul.f32 v50, v3  }
0x10d: {  	v62 =	vld [tilespmem:s16+$0x130];
	v60 =	vbroadcast v52, $0x2;
	v61 =	vmul.f32 v53, v56  }
0x10e: {  	v2 =	vadd.f32 v57, v2;
	v1 =	vadd.f32 v3, v1;
	v3 =	vmul.f32 v54, v56  }
0x10f: {  	v6 =	vbroadcast v52, $0x3;
	v63 =	vmul.f32 v55, v60  }
0x110: {  	v2 =	vadd.f32 v61, v2;
	v1 =	vadd.f32 v3, v1;
	v3 =	vmul.f32 v58, v60  }
0x111: {  	v4 =	vmul.f32 v59, v6  }
0x112: {  	s30 =	simm.s32 $0x14;
	v2 =	vadd.f32 v63, v2;
	v1 =	vadd.f32 v3, v1;
	v3 =	vmul.f32 v62, v6  }
0x113: {  	s10 =	simm.s32 $0x28;
	s29 =	sadd.s32 $0x14, s31;
	s14 =	simm.s32 $0x1A840  }
0x114: {  	s8 =	sand.u32 $0x4, s30;
	s5 =	simm.s32 $0x157D0;
	s7 =	simm.s32 $0x1A820;
	v2 =	vadd.f32 v4, v2;
	v1 =	vadd.f32 v3, v1  }
.LBB2_9:
0x115: {  	s11 =	sand.u32 $0x4, s10  }
0x116: {  	s13 =	sand.u32 $0x3FFF8, s29;
	[tilespmem:s7+$0xFFFFFFF0] =	vst v2;
	s29 =	smov.u32 s10;
	s16 =	sadd.s32 $0x14, s10  }
0x117: {  	p0 =	sne.s32 s10, $0x26C;
	s10 =	sor.u32 s8, s13;
	[tilespmem:s7+$0x0] =	vst v1;
	s8 =	smov.u32 s11  }
0x118: {  	s7 =	smov.u32 s14;
	v3 =	vld [tilespmem:s10+$0x0]  }
0x119: {  	v1 =	vld [tilespmem:s5+$0xB0]  }
0x11a: {  	v2 =	vld [tilespmem:s5+$0x80]  }
0x11b: {  	v4 =	vld [tilespmem:s5+$0xFFFFFED0]  }
0x11c: {  	v5 =	vld [tilespmem:s5+$0xFFFFFEC0]  }
0x11d: {  	vm0 =	veq.s32 v3, $0x0;
	v3 =	vld [tilespmem:s5+$0xFFFFFEF0]  }
0x11e: {  	v6 =	vsel vm0, $0x0, v0;
	v7 =	vld [tilespmem:s5+$0xFFFFFEE0]  }
0x11f: {  	v8 =	vbroadcast v6, $0x0;
	v9 =	vbroadcast v6, $0x1;
	v10 =	vld [tilespmem:s5+$0xFFFFFF10]  }
0x120: {  	v12 =	vbroadcast v6, $0x2;
	v13 =	vbroadcast v6, $0x3;
	v11 =	vld [tilespmem:s5+$0xFFFFFF00]  }
0x121: {  	v5 =	vmul.f32 v8, v5;
	v4 =	vmul.f32 v8, v4;
	v8 =	vld [tilespmem:s5+$0xFFFFFF30]  }
0x122: {  	v15 =	vbroadcast v6, $0x4;
	v3 =	vmul.f32 v3, v9;
	v14 =	vld [tilespmem:s5+$0xFFFFFF20]  }
0x123: {  	v5 =	vadd.f32 $0.0e+00, v5;
	v4 =	vadd.f32 $0.0e+00, v4;
	v7 =	vmul.f32 v7, v9;
	v9 =	vld [tilespmem:s5+$0xFFFFFF50]  }
0x124: {  	v17 =	vbroadcast v6, $0x5;
	v10 =	vmul.f32 v10, v12;
	v16 =	vld [tilespmem:s5+$0xFFFFFF40]  }
0x125: {  	v5 =	vadd.f32 v7, v5;
	v3 =	vadd.f32 v3, v4;
	v4 =	vmul.f32 v11, v12;
	v7 =	vld [tilespmem:s5+$0xFFFFFF70]  }
0x126: {  	v12 =	vbroadcast v6, $0x6;
	v8 =	vmul.f32 v8, v13;
	v11 =	vld [tilespmem:s5+$0xFFFFFF60]  }
0x127: {  	v4 =	vadd.f32 v4, v5;
	v3 =	vadd.f32 v10, v3;
	v5 =	vmul.f32 v14, v13;
	v10 =	vld [tilespmem:s5+$0xFFFFFF90]  }
0x128: {  	v14 =	vbroadcast v6, $0x7;
	v9 =	vmul.f32 v9, v15;
	v13 =	vld [tilespmem:s5+$0xFFFFFF80]  }
0x129: {  	v4 =	vadd.f32 v5, v4;
	v3 =	vadd.f32 v8, v3;
	v5 =	vmul.f32 v16, v15;
	v8 =	vld [tilespmem:s5+$0xFFFFFFB0]  }
0x12a: {  	v16 =	vbroadcast v6, $0x8;
	v7 =	vmul.f32 v7, v17;
	v15 =	vld [tilespmem:s5+$0xFFFFFFA0]  }
0x12b: {  	v4 =	vadd.f32 v5, v4;
	v3 =	vadd.f32 v9, v3;
	v5 =	vmul.f32 v11, v17;
	v9 =	vld [tilespmem:s5+$0xFFFFFFD0]  }
0x12c: {  	v17 =	vbroadcast v6, $0x9;
	v10 =	vmul.f32 v10, v12;
	v11 =	vld [tilespmem:s5+$0xFFFFFFC0]  }
0x12d: {  	v4 =	vadd.f32 v5, v4;
	v3 =	vadd.f32 v7, v3;
	v5 =	vmul.f32 v13, v12;
	v7 =	vld [tilespmem:s5+$0xFFFFFFF0]  }
0x12e: {  	v13 =	vbroadcast v6, $0xA;
	v8 =	vmul.f32 v8, v14;
	v12 =	vld [tilespmem:s5+$0xFFFFFFE0]  }
0x12f: {  	v4 =	vadd.f32 v5, v4;
	v3 =	vadd.f32 v10, v3;
	v5 =	vmul.f32 v15, v14;
	v10 =	vld [tilespmem:s5+$0x10]  }
0x130: {  	v15 =	vbroadcast v6, $0xB;
	v9 =	vmul.f32 v9, v16;
	v14 =	vld [tilespmem:s5+$0x0]  }
0x131: {  	v4 =	vadd.f32 v5, v4;
	v3 =	vadd.f32 v8, v3;
	v5 =	vmul.f32 v11, v16;
	v8 =	vld [tilespmem:s5+$0x30]  }
0x132: {  	v16 =	vbroadcast v6, $0xC;
	v7 =	vmul.f32 v7, v17;
	v11 =	vld [tilespmem:s5+$0x20]  }
0x133: {  	v4 =	vadd.f32 v5, v4;
	v3 =	vadd.f32 v9, v3;
	v5 =	vmul.f32 v12, v17;
	v9 =	vld [tilespmem:s5+$0x50]  }
0x134: {  	v17 =	vbroadcast v6, $0xD;
	v10 =	vmul.f32 v10, v13;
	v12 =	vld [tilespmem:s5+$0x40]  }
0x135: {  	v4 =	vadd.f32 v5, v4;
	v3 =	vadd.f32 v7, v3;
	v5 =	vmul.f32 v14, v13;
	v7 =	vld [tilespmem:s5+$0x70]  }
0x136: {  	v14 =	vbroadcast v6, $0xE;
	v8 =	vmul.f32 v8, v15;
	v13 =	vld [tilespmem:s5+$0x60]  }
0x137: {  	v4 =	vadd.f32 v5, v4;
	v3 =	vadd.f32 v10, v3;
	v5 =	vmul.f32 v11, v15;
	v10 =	vld [tilespmem:s5+$0x90]  }
0x138: {  	v6 =	vbroadcast v6, $0xF;
	v11 =	vld [tilespmem:s10+$0x10];
	v9 =	vmul.f32 v9, v16  }
0x139: {  	v4 =	vadd.f32 v5, v4;
	v3 =	vadd.f32 v8, v3;
	v5 =	vmul.f32 v12, v16;
	v8 =	vld [tilespmem:s5+$0xA0]  }
0x13a: {  	v7 =	vmul.f32 v7, v17  }
0x13b: {  	v4 =	vadd.f32 v5, v4;
	v3 =	vadd.f32 v9, v3;
	v5 =	vmul.f32 v13, v17  }
0x13c: {  	v2 =	vmul.f32 v2, v14;
	v9 =	vmul.f32 v10, v14;
	v10 =	vld [tilespmem:s5+$0xC0]  }
0x13d: {  	vm0 =	veq.s32 v11, $0x0;
	v4 =	vadd.f32 v5, v4;
	v3 =	vadd.f32 v7, v3;
	v5 =	vld [tilespmem:s5+$0xD0]  }
0x13e: {  	v1 =	vmul.f32 v1, v6;
	v7 =	vsel vm0, $0x0, v0;
	v8 =	vmul.f32 v8, v6;
	v6 =	vld [tilespmem:s5+$0xE0]  }
0x13f: {  	v2 =	vadd.f32 v2, v4;
	v3 =	vadd.f32 v9, v3;
	v4 =	vbroadcast v7, $0x0;
	v9 =	vld [tilespmem:s5+$0xF0]  }
0x140: {  	v11 =	vbroadcast v7, $0x1;
	v13 =	vbroadcast v7, $0x2;
	v12 =	vld [tilespmem:s5+$0x100]  }
0x141: {  	v2 =	vadd.f32 v8, v2;
	v1 =	vadd.f32 v1, v3;
	v3 =	vmul.f32 v10, v4;
	v8 =	vld [tilespmem:s5+$0x110]  }
0x142: {  	v7 =	vbroadcast v7, $0x3;
	v4 =	vmul.f32 v5, v4;
	v5 =	vld [tilespmem:s5+$0x120]  }
0x143: {  	v2 =	vadd.f32 v3, v2;
	v3 =	vmul.f32 v6, v11;
	v6 =	vld [tilespmem:s5+$0x130]  }
0x144: {  	v1 =	vadd.f32 v4, v1;
	v4 =	vmul.f32 v9, v11  }
0x145: {  	v2 =	vadd.f32 v3, v2;
	v3 =	vmul.f32 v12, v13  }
.Ltmp4:
0x146: {  	v1 =	vadd.f32 v4, v1;
	v4 =	vmul.f32 v8, v13;
	(pc) =	sbr.rel @p0 .LBB2_9-.Ltmp4, $4  }
0x147: {  	v2 =	vadd.f32 v3, v2;
	v3 =	vmul.f32 v5, v7  }
0x148: {  	v1 =	vadd.f32 v4, v1;
	v4 =	vmul.f32 v6, v7  }
0x149: {  	s29 =	sadd.s32 s29, s31;
	v2 =	vadd.f32 v3, v2  }
0x14a: {  	s14 =	sadd.s32 $0x20, s14;
	s10 =	smov.u32 s16;
	s5 =	sadd.s32 $0x280, s5;
	v1 =	vadd.f32 v4, v1  }
0x14b: {  	s10 =	sand.u32 $0x3FFF8, s29;
	[tilespmem:s7+$0xFFFFFFF0] =	vst v2  }
0x14c: {  	s8 =	sor.u32 s8, s10;
	[tilespmem:s7+$0x0] =	vst v1  }
0x14d: {  	v1 =	vld [tilespmem:s8+$0x0];
	_ =	sdelay $0x2  }
0x14e: {  	v3 =	vld [tilespmem:s5+$0xFFFFFEC0]  }
0x14f: {  	v4 =	vld [tilespmem:s5+$0xFFFFFED0]  }
0x150: {  	v5 =	vld [tilespmem:s5+$0xFFFFFEE0];
	vm0 =	veq.s32 v1, $0x0  }
0x151: {  	v6 =	vld [tilespmem:s5+$0xFFFFFEF0];
	v1 =	vsel vm0, $0x0, v0  }
0x152: {  	v8 =	vld [tilespmem:s5+$0xFFFFFF00];
	v7 =	vbroadcast v1, $0x0  }
0x153: {  	v10 =	vld [tilespmem:s5+$0xFFFFFF10]  }
0x154: {  	v38 =	vld [tilespmem:s5+$0xFFFFFF20];
	v9 =	vbroadcast v1, $0x1;
	v3 =	vmul.f32 v7, v3  }
0x155: {  	v12 =	vld [tilespmem:s5+$0xFFFFFF30];
	v4 =	vmul.f32 v7, v4  }
0x156: {  	v39 =	vld [tilespmem:s5+$0xFFFFFF40];
	v11 =	vbroadcast v1, $0x2;
	v5 =	vmul.f32 v5, v9;
	v3 =	vadd.f32 $0.0e+00, v3  }
0x157: {  	v14 =	vld [tilespmem:s5+$0xFFFFFF50];
	v6 =	vmul.f32 v6, v9;
	v4 =	vadd.f32 $0.0e+00, v4  }
0x158: {  	v42 =	vld [tilespmem:s5+$0xFFFFFF60];
	v13 =	vbroadcast v1, $0x3;
	v40 =	vmul.f32 v8, v11;
	v3 =	vadd.f32 v5, v3  }
0x159: {  	v44 =	vld [tilespmem:s5+$0xFFFFFF70];
	v41 =	vmul.f32 v10, v11;
	v4 =	vadd.f32 v6, v4  }
0x15a: {  	v47 =	vld [tilespmem:s5+$0xFFFFFF80];
	v43 =	vbroadcast v1, $0x4;
	v45 =	vmul.f32 v38, v13;
	v3 =	vadd.f32 v40, v3  }
0x15b: {  	v49 =	vld [tilespmem:s5+$0xFFFFFF90];
	v46 =	vmul.f32 v12, v13;
	v4 =	vadd.f32 v41, v4  }
0x15c: {  	v52 =	vld [tilespmem:s5+$0xFFFFFFA0];
	v48 =	vbroadcast v1, $0x5;
	v50 =	vmul.f32 v39, v43;
	v3 =	vadd.f32 v45, v3  }
0x15d: {  	v54 =	vld [tilespmem:s5+$0xFFFFFFB0];
	v51 =	vmul.f32 v14, v43;
	v4 =	vadd.f32 v46, v4  }
0x15e: {  	v57 =	vld [tilespmem:s5+$0xFFFFFFC0];
	v53 =	vbroadcast v1, $0x6;
	v55 =	vmul.f32 v42, v48;
	v3 =	vadd.f32 v50, v3  }
0x15f: {  	v59 =	vld [tilespmem:s5+$0xFFFFFFD0];
	v56 =	vmul.f32 v44, v48;
	v4 =	vadd.f32 v51, v4  }
0x160: {  	v62 =	vld [tilespmem:s5+$0xFFFFFFE0];
	v58 =	vbroadcast v1, $0x7;
	v60 =	vmul.f32 v47, v53;
	v3 =	vadd.f32 v55, v3  }
0x161: {  	v16 =	vld [tilespmem:s5+$0xFFFFFFF0];
	v61 =	vmul.f32 v49, v53;
	v4 =	vadd.f32 v56, v4  }
0x162: {  	v19 =	vld [tilespmem:s5+$0x0];
	v63 =	vbroadcast v1, $0x8;
	v17 =	vmul.f32 v52, v58;
	v3 =	vadd.f32 v60, v3  }
0x163: {  	v21 =	vld [tilespmem:s5+$0x10];
	v18 =	vmul.f32 v54, v58;
	v4 =	vadd.f32 v61, v4  }
0x164: {  	v24 =	vld [tilespmem:s5+$0x20];
	v20 =	vbroadcast v1, $0x9;
	v22 =	vmul.f32 v57, v63;
	v3 =	vadd.f32 v17, v3  }
0x165: {  	v26 =	vld [tilespmem:s5+$0x30];
	v23 =	vmul.f32 v59, v63;
	v4 =	vadd.f32 v18, v4  }
0x166: {  	v29 =	vld [tilespmem:s5+$0x40];
	v25 =	vbroadcast v1, $0xA;
	v27 =	vmul.f32 v62, v20;
	v3 =	vadd.f32 v22, v3  }
0x167: {  	v31 =	vld [tilespmem:s5+$0x50];
	v28 =	vmul.f32 v16, v20;
	v4 =	vadd.f32 v23, v4  }
0x168: {  	v34 =	vld [tilespmem:s5+$0x60];
	v30 =	vbroadcast v1, $0xB;
	v32 =	vmul.f32 v19, v25;
	v3 =	vadd.f32 v27, v3  }
0x169: {  	v36 =	vld [tilespmem:s5+$0x70];
	v33 =	vmul.f32 v21, v25;
	v4 =	vadd.f32 v28, v4  }
0x16a: {  	v35 =	vbroadcast v1, $0xC;
	v37 =	vmul.f32 v24, v30;
	v39 =	vld [tilespmem:s8+$0x10];
	v3 =	vadd.f32 v32, v3  }
0x16b: {  	v2 =	vld [tilespmem:s5+$0x80];
	v38 =	vmul.f32 v26, v30;
	v4 =	vadd.f32 v33, v4  }
0x16c: {  	v42 =	vmul.f32 v29, v35;
	v40 =	vbroadcast v1, $0xD;
	v41 =	vld [tilespmem:s5+$0x90];
	v3 =	vadd.f32 v37, v3  }
0x16d: {  	v43 =	vmul.f32 v31, v35;
	v44 =	vld [tilespmem:s5+$0xA0];
	v4 =	vadd.f32 v38, v4  }
0x16e: {  	v45 =	vld [tilespmem:s5+$0xB0];
	v46 =	vbroadcast v1, $0xE;
	v47 =	vmul.f32 v34, v40;
	v3 =	vadd.f32 v42, v3  }
0x16f: {  	v49 =	vld [tilespmem:s5+$0xC0];
	vm15 =	veq.s32 v39, $0x0;
	v48 =	vmul.f32 v36, v40;
	v4 =	vadd.f32 v43, v4  }
0x170: {  	v1 =	vbroadcast v1, $0xF;
	v2 =	vmul.f32 v2, v46;
	v50 =	vld [tilespmem:s5+$0xD0];
	v3 =	vadd.f32 v47, v3  }
0x171: {  	v53 =	vld [tilespmem:s5+$0xE0];
	v52 =	vsel vm15, $0x0, v0;
	v51 =	vmul.f32 v41, v46;
	v4 =	vadd.f32 v48, v4  }
0x172: {  	v54 =	vld [tilespmem:s5+$0xF0];
	v7 =	vmul.f32 v44, v1;
	v2 =	vadd.f32 v2, v3;
	v3 =	vbroadcast v52, $0x0  }
0x173: {  	v55 =	vld [tilespmem:s5+$0x100];
	v1 =	vmul.f32 v45, v1;
	v4 =	vadd.f32 v51, v4  }
0x174: {  	v58 =	vld [tilespmem:s5+$0x110];
	v56 =	vbroadcast v52, $0x1;
	v2 =	vadd.f32 v7, v2;
	v57 =	vmul.f32 v49, v3  }
0x175: {  	v59 =	vld [tilespmem:s5+$0x120];
	v1 =	vadd.f32 v1, v4;
	v3 =	vmul.f32 v50, v3  }
0x176: {  	v62 =	vld [tilespmem:s5+$0x130];
	v60 =	vbroadcast v52, $0x2;
	v61 =	vmul.f32 v53, v56;
	v2 =	vadd.f32 v57, v2  }
0x177: {  	v1 =	vadd.f32 v3, v1;
	v3 =	vmul.f32 v54, v56  }
0x178: {  	v6 =	vbroadcast v52, $0x3;
	v63 =	vmul.f32 v55, v60;
	v2 =	vadd.f32 v61, v2  }
0x179: {  	v1 =	vadd.f32 v3, v1;
	v3 =	vmul.f32 v58, v60  }
0x17a: {  	s0 =	sadd.s32 $0x1, s0;
	v4 =	vmul.f32 v59, v6;
	v2 =	vadd.f32 v63, v2  }
0x17b: {  	p0 =	sne.s32 s0, $0x34;
	v1 =	vadd.f32 v3, v1;
	v3 =	vmul.f32 v62, v6  }
.Ltmp5:
0x17c: {  	s30 =	sshll.u32 s12, $0xA;
	v2 =	vadd.f32 v4, v2;
	(pc) =	sbr.rel @p0 .LBB2_2-.Ltmp5, $4  }
0x17d: {  	s5 =	sadd.s32 s6, s30;
	v1 =	vadd.f32 v3, v1  }
0x17e: {  	s5 =	sshrl.u32 s5, $0x3;
	[tilespmem:s14+$0xFFFFFFF0] =	vst v2  }
0x17f: {  	s1 =	sadd.s32 $0x500, s1;
	s31 =	sadd.s32 $0x500, s31;
	s5 =	sadd.s32 s2, s5;
	[tilespmem:s14+$0x0] =	vst v1  }
0x180: {  	[hbm4b:s5+s3] =	stream.linear.scatter [tilespmem:s28], [sflag:$0x4], $0x400, $0x38;
	[tilespmem:$0x1AC10] =	vst v63  }
0x181: {  	s0 =	simm.s32 $0x3  }
0x182: {  	_ =	swait.ge [sflag:s0], $0x400  }
0x183: {  	[sflag:s0] =	ssyncset.done $0x0  }
0x184: {  	[sflag:s0] =	ssyncadd.s32 $0xFFFFFC00  }
0x185: {  	_ =	swait.ge [sflag:s26], $0x400  }
0x186: {  	s1 =	rddreg [dreg:$0x5]  }
0x187: {  	s31 =	rddreg [dreg:$0x4];
	s1 =	sadd.s32 $0x1, s1  }
0x188: {  	p0 =	sne.s32 s1, s31  }
.Ltmp6:
0x189: {  	_ = 	snop;
	(pc) =	sbr.rel @p0 .LBB2_1-.Ltmp6, $3  }
0x18a: {  	_ =	sdelay $0x1  }
0x18b: {  	[sflag:s26] =	ssyncset.done $0x0  }
0x18c: {  	[sflag:s26] =	ssyncadd.s32 $0xFFFFFC00  }
0x18d: {  	_ =	sfence.sel $0x180000  }
0x18e: {  	[bflag:$0x0] =	sbarrier.arrive $0xFFFF  }
0x18f: {  	_ =	strace $0x90000047  }
0x190: {  	s0 =	stileid.u32;
	[bflag:$0x2] =	sbarrier.arrive $0xFFFF  }
0x191: {  	p0 =	sne.s32 s0, $0x0;
	s0 =	rddreg [dreg:$0x2]  }
0x192: {  	s0 =	sadd.s32 @!p0 $0x100000, s0  }
0x193: {  	[sflag:s0] =	ssyncadd.tile.s32 @!p0 $0x1;
	_ =	shalt  }
.Lfunc_end2:
_tile_overlayer_lowered:
.L_overlay_start_2:
0x194: {  	(tag) =	ssettag $0x2  }
0x195: {  	s0 =	rddreg [dreg:$0x0];
	s2 =	stileid.u32  }
0x196: {  	s1 =	rddreg [dreg:$0x1];
	p0 =	sne.s32 s2, $0x0  }
0x197: {  	s3 =	rddreg [dreg:$0x2];
	[bflag:$0x3] =	sbarrier.arrive $0xFFFF;
	s2 =	simm.s32 @!p0 $0x1C05  }
0x198: {  	[timem:s3], [sflag:s2] =	dma.local @!p0 [hbm:s0], s1  }
0x199: {  	s0 =	simm.s32 @!p0 $0x5  }
0x19a: {  	_ =	swait.ge @!p0 [sflag:s0], s1  }
0x19b: {  	s1 =	ssub.s32 @!p0 $0x0, s1;
	[sflag:s0] =	ssyncset.done @!p0 $0x0  }
0x19c: {  	[sflag:s0] =	ssyncadd.s32 @!p0 s1  }
0x19d: {  	[bflag:$0x3] =	sbarrier.arrive $0xFFFF  }
0x19e: {  	_ =	shalt  }

</sc_bundles>
